<compile_context>
chip_gen: v7x
topology: tpu7x:2x2x1
jax: 0.10.2.dev20260603
libtpu: 0.0.44.dev20260713+nightly
codegen_flags: <defaults>
</compile_context>

<pallas_src>
import jax
import jax.numpy as jnp
from jax import lax
from jax.experimental import pallas as pl
from jax.experimental.pallas import tpu as pltpu, tpu_sc as plsc

NUM_CORES = 2
NUM_SUBCORES = 16
LANES = 16
NW = NUM_CORES * NUM_SUBCORES

B = 16384
S = B // NW
NF, FD = 26, 1000
NC, CD = 8, 100
CHUNKS = S // LANES


def _body(user_h, item_h, feat_h, ctx_h, gb_h, ub_h, ib_h, ftab_h, ctab_h,
          out_h,
          uidx, iidx, urows, irows, fidx, cidx, ftab, ctab, gbv, outv,
          sem_u, sem_i, sem_s, sem_t):
    wid = lax.axis_index("s") * NUM_CORES + lax.axis_index("c")
    base = wid * S

    with jax.named_scope("stage_issue"):
        cu0 = pltpu.async_copy(user_h.at[pl.ds(base, S)], uidx, sem_u)
        ci0 = pltpu.async_copy(item_h.at[pl.ds(base, S)], iidx, sem_i)
        c1 = pltpu.async_copy(ftab_h, ftab, sem_t)
        c2 = pltpu.async_copy(ctab_h, ctab, sem_s)
        c3 = pltpu.async_copy(feat_h.at[:, pl.ds(base, S)], fidx, sem_s)
        c4 = pltpu.async_copy(ctx_h.at[:, pl.ds(base, S)], cidx, sem_s)
        c5 = pltpu.async_copy(gb_h, gbv, sem_s)
        cu0.wait()
        ci0.wait()
        cu = pltpu.async_copy(ub_h.at[uidx], urows, sem_u)
        ci = pltpu.async_copy(ib_h.at[iidx], irows, sem_i)
    with jax.named_scope("wait_slab"):
        c3.wait()
        c4.wait()
        c5.wait()
        c2.wait()
    gvec = gbv[...]

    scope1 = jax.named_scope("pass1_ctx")
    scope1.__enter__()

    @plsc.parallel_loop(0, CHUNKS, step=1, unroll=2)
    def chunk1(k):
        o = pl.ds(k * LANES, LANES)
        acc = gvec + plsc.load_gather(ctab, [jnp.zeros((LANES,), jnp.int32),
                                             cidx[0, o]])
        for c in range(1, NC):
            row = jnp.full((LANES,), c, jnp.int32)
            acc = acc + plsc.load_gather(ctab, [row, cidx[c, o]])
        outv[o] = acc
    scope1.__exit__(None, None, None)

    with jax.named_scope("wait_ui2"):
        cu.wait()
        ci.wait()
    with jax.named_scope("wait_ftab"):
        c1.wait()

    scope2 = jax.named_scope("pass2_feat")
    scope2.__enter__()

    @plsc.parallel_loop(0, CHUNKS, step=1, unroll=2)
    def chunk2(k):
        o = pl.ds(k * LANES, LANES)
        acc = outv[o] + urows[o] + irows[o]
        for f in range(NF):
            row = jnp.full((LANES,), f, jnp.int32)
            acc = acc + plsc.load_gather(ftab, [row, fidx[f, o]])
        outv[o] = acc
    scope2.__exit__(None, None, None)
    with jax.named_scope("writeback"):
        pltpu.sync_copy(outv, out_h.at[pl.ds(base, S)])


def kernel(user, item, features, contexts, global_bias, user_bias, item_bias,
           feat_bias, ctx_bias, feat_offsets, ctx_offsets):
    del feat_offsets, ctx_offsets
    featT = features.astype(jnp.int32).T
    ctxT = contexts.astype(jnp.int32).T
    ftab = feat_bias.reshape(NF, FD)
    ctab = ctx_bias.reshape(NC, CD)
    ub = user_bias.reshape(-1)
    ib = item_bias.reshape(-1)
    gb16 = jnp.broadcast_to(global_bias, (LANES,))

    run = pl.kernel(
        _body,
        out_type=jax.ShapeDtypeStruct((B,), jnp.float32),
        mesh=plsc.VectorSubcoreMesh(core_axis_name="c", subcore_axis_name="s"),
        compiler_params=pltpu.CompilerParams(needs_layout_passes=False),
        scratch_types=[
            pltpu.VMEM((S,), jnp.int32),
            pltpu.VMEM((S,), jnp.int32),
            pltpu.VMEM((S,), jnp.float32),
            pltpu.VMEM((S,), jnp.float32),
            pltpu.VMEM((NF, S), jnp.int32),
            pltpu.VMEM((NC, S), jnp.int32),
            pltpu.VMEM((NF, FD), jnp.float32),
            pltpu.VMEM((NC, CD), jnp.float32),
            pltpu.VMEM((LANES,), jnp.float32),
            pltpu.VMEM((S,), jnp.float32),
            pltpu.SemaphoreType.DMA,
            pltpu.SemaphoreType.DMA,
            pltpu.SemaphoreType.DMA,
            pltpu.SemaphoreType.DMA,
        ],
    )
    return run(user.astype(jnp.int32), item.astype(jnp.int32), featT,
               ctxT, gb16, ub, ib, ftab, ctab)

# --- scband reference (transcript-rebuilt; emitter-appended) ---
"""Pipeline reference for scband-context-recommender-utils-74921409511680 (READ-ONLY COPY).

The authoritative reference and input builder live on the scoring server;
editing this copy changes nothing except your own understanding.
"""

import jax, jax.numpy as jnp
import numpy as np

N_USERS = 100000
N_ITEMS = 100000
B = 16384
N_FEAT_FIELDS = 26
FEAT_DIM = 1000
N_CTX_FIELDS = 8
CTX_DIM = 100


def setup_inputs(seed: int = 0) -> dict:
    key = jax.random.key(seed)
    ks = jax.random.split(key, 8)
    user = jax.random.randint(ks[0], (B,), 0, N_USERS)
    item = jax.random.randint(ks[1], (B,), 0, N_ITEMS)
    features = jax.random.randint(ks[2], (B, N_FEAT_FIELDS), 0, FEAT_DIM)
    contexts = jax.random.randint(ks[3], (B, N_CTX_FIELDS), 0, CTX_DIM)
    global_bias = jnp.zeros((1,), dtype=jnp.float32)
    user_bias = jax.random.normal(ks[4], (N_USERS, 1), dtype=jnp.float32) * 0.01
    item_bias = jax.random.normal(ks[5], (N_ITEMS + 1, 1), dtype=jnp.float32) * 0.01
    feat_bias = jax.random.normal(ks[6], (N_FEAT_FIELDS * FEAT_DIM, 1), dtype=jnp.float32) * 0.01
    ctx_bias = jax.random.normal(ks[7], (N_CTX_FIELDS * CTX_DIM, 1), dtype=jnp.float32) * 0.01
    feat_offsets = jnp.cumsum(jnp.array([0] + [FEAT_DIM] * (N_FEAT_FIELDS - 1), dtype=jnp.int64))
    ctx_offsets = jnp.cumsum(jnp.array([0] + [CTX_DIM] * (N_CTX_FIELDS - 1), dtype=jnp.int64))
    return {
        "user": user,
        "item": item,
        "features": features,
        "contexts": contexts,
        "global_bias": global_bias,
        "user_bias": user_bias,
        "item_bias": item_bias,
        "feat_bias": feat_bias,
        "ctx_bias": ctx_bias,
        "feat_offsets": feat_offsets,
        "ctx_offsets": ctx_offsets,
    }


def reference(user, item, features, contexts, global_bias, user_bias, item_bias,
              feat_bias, ctx_bias, feat_offsets, ctx_offsets):
    # compute_first_order: global + user + item + sum(feature biases) + sum(context biases)
    linear_part = global_bias + jnp.squeeze(jnp.take(user_bias, user, axis=0), -1) \
        + jnp.squeeze(jnp.take(item_bias, item, axis=0), -1)
    feat_global_idx = features + feat_offsets[None, :]
    feat_b = jnp.squeeze(jnp.take(feat_bias, feat_global_idx, axis=0).sum(axis=1), -1)
    linear_part = linear_part + feat_b
    ctx_global_idx = contexts + ctx_offsets[None, :]
    ctx_b = jnp.squeeze(jnp.take(ctx_bias, ctx_global_idx, axis=0).sum(axis=1), -1)
    linear_part = linear_part + ctx_b
    return linear_part

if __name__ == "__main__":
    import jax
    _d = setup_inputs()
    print(jax.jit(kernel)(*tuple(_d.values())))

</pallas_src>

<mosaic_0001>
#map = affine_map<(d0, d1) -> (0)>
#map1 = affine_map<(d0, d1) -> (0, 0)>
module attributes {stable_mosaic.version = 14 : i64} {
  func.func @_body(%arg0: i32, %arg1: i32, %arg2: memref<16384xi32, #tpu.memory_space<hbm>>, %arg3: memref<16384xi32, #tpu.memory_space<hbm>>, %arg4: memref<26x16384xi32, #tpu.memory_space<hbm>>, %arg5: memref<8x16384xi32, #tpu.memory_space<hbm>>, %arg6: memref<16xf32, #tpu.memory_space<hbm>>, %arg7: memref<100000xf32, #tpu.memory_space<hbm>>, %arg8: memref<100001xf32, #tpu.memory_space<hbm>>, %arg9: memref<26x1000xf32, #tpu.memory_space<hbm>>, %arg10: memref<8x100xf32, #tpu.memory_space<hbm>>, %arg11: memref<16384xf32, #tpu.memory_space<hbm>>, %arg12: memref<512xi32, #tpu.memory_space<vmem>>, %arg13: memref<512xi32, #tpu.memory_space<vmem>>, %arg14: memref<512xf32, #tpu.memory_space<vmem>>, %arg15: memref<512xf32, #tpu.memory_space<vmem>>, %arg16: memref<26x512xi32, #tpu.memory_space<vmem>>, %arg17: memref<8x512xi32, #tpu.memory_space<vmem>>, %arg18: memref<26x1000xf32, #tpu.memory_space<vmem>>, %arg19: memref<8x100xf32, #tpu.memory_space<vmem>>, %arg20: memref<16xf32, #tpu.memory_space<vmem>>, %arg21: memref<512xf32, #tpu.memory_space<vmem>>, %arg22: memref<!tpu.dma_semaphore, #tpu.memory_space<semaphore_mem>>, %arg23: memref<!tpu.dma_semaphore, #tpu.memory_space<semaphore_mem>>, %arg24: memref<!tpu.dma_semaphore, #tpu.memory_space<semaphore_mem>>, %arg25: memref<!tpu.dma_semaphore, #tpu.memory_space<semaphore_mem>>) attributes {dimension_semantics = [#tpu.dimension_semantics<core_parallel>, #tpu.dimension_semantics<subcore_parallel>], iteration_bounds = array<i64: 2, 16>, scalar_prefetch = 0 : i64, scratch_operands = 14 : i64, tpu.core_type = #tpu.core_type<sc_vector_subcore>, window_params = [{transform_indices = #map}, {transform_indices = #map}, {transform_indices = #map1}, {transform_indices = #map1}, {transform_indices = #map}, {transform_indices = #map}, {transform_indices = #map}, {transform_indices = #map1}, {transform_indices = #map1}, {transform_indices = #map}]} {
    %mul3A = arith.constant 2 : i32
    %mul3A_0 = arith.muli %arg1, %mul3A : i32
    %add3A = arith.addi %mul3A_0, %arg0 : i32
    %mul3A_1 = arith.constant 512 : i32
    %mul3A_2 = arith.muli %add3A, %mul3A_1 : i32
    "tpu.trace_start"() <{level = 10 : i32, message = "stage_issue"}> : () -> ()
    %dma_start3A = tpu.memref_slice %arg2[%mul3A_2] : memref<16384xi32, #tpu.memory_space<hbm>> -> memref<512xi32, #tpu.memory_space<hbm>>
    %dma_start3A_3 = tpu.memref_slice %arg2[%mul3A_2] : memref<16384xi32, #tpu.memory_space<hbm>> -> memref<512xi32, #tpu.memory_space<hbm>>
    tpu.enqueue_dma source(%dma_start3A_3 : memref<512xi32, #tpu.memory_space<hbm>>) target(%arg12 : memref<512xi32, #tpu.memory_space<vmem>>) target_semaphore(%arg22 : memref<!tpu.dma_semaphore, #tpu.memory_space<semaphore_mem>>)
    %dma_start3A_4 = tpu.memref_slice %arg3[%mul3A_2] : memref<16384xi32, #tpu.memory_space<hbm>> -> memref<512xi32, #tpu.memory_space<hbm>>
    %dma_start3A_5 = tpu.memref_slice %arg3[%mul3A_2] : memref<16384xi32, #tpu.memory_space<hbm>> -> memref<512xi32, #tpu.memory_space<hbm>>
    tpu.enqueue_dma source(%dma_start3A_5 : memref<512xi32, #tpu.memory_space<hbm>>) target(%arg13 : memref<512xi32, #tpu.memory_space<vmem>>) target_semaphore(%arg23 : memref<!tpu.dma_semaphore, #tpu.memory_space<semaphore_mem>>)
    tpu.enqueue_dma source(%arg9 : memref<26x1000xf32, #tpu.memory_space<hbm>>) target(%arg18 : memref<26x1000xf32, #tpu.memory_space<vmem>>) target_semaphore(%arg25 : memref<!tpu.dma_semaphore, #tpu.memory_space<semaphore_mem>>)
    tpu.enqueue_dma source(%arg10 : memref<8x100xf32, #tpu.memory_space<hbm>>) target(%arg19 : memref<8x100xf32, #tpu.memory_space<vmem>>) target_semaphore(%arg24 : memref<!tpu.dma_semaphore, #tpu.memory_space<semaphore_mem>>)
    %dma_start3A_6 = arith.constant 0 : i32
    %dma_start3A_7 = tpu.memref_slice %arg4[%dma_start3A_6, %mul3A_2] : memref<26x16384xi32, #tpu.memory_space<hbm>> -> memref<26x512xi32, #tpu.memory_space<hbm>>
    %dma_start3A_8 = arith.constant 0 : i32
    %dma_start3A_9 = tpu.memref_slice %arg4[%dma_start3A_8, %mul3A_2] : memref<26x16384xi32, #tpu.memory_space<hbm>> -> memref<26x512xi32, #tpu.memory_space<hbm>>
    tpu.enqueue_dma source(%dma_start3A_9 : memref<26x512xi32, #tpu.memory_space<hbm>>) target(%arg16 : memref<26x512xi32, #tpu.memory_space<vmem>>) target_semaphore(%arg24 : memref<!tpu.dma_semaphore, #tpu.memory_space<semaphore_mem>>)
    %dma_start3A_10 = arith.constant 0 : i32
    %dma_start3A_11 = tpu.memref_slice %arg5[%dma_start3A_10, %mul3A_2] : memref<8x16384xi32, #tpu.memory_space<hbm>> -> memref<8x512xi32, #tpu.memory_space<hbm>>
    %dma_start3A_12 = arith.constant 0 : i32
    %dma_start3A_13 = tpu.memref_slice %arg5[%dma_start3A_12, %mul3A_2] : memref<8x16384xi32, #tpu.memory_space<hbm>> -> memref<8x512xi32, #tpu.memory_space<hbm>>
    tpu.enqueue_dma source(%dma_start3A_13 : memref<8x512xi32, #tpu.memory_space<hbm>>) target(%arg17 : memref<8x512xi32, #tpu.memory_space<vmem>>) target_semaphore(%arg24 : memref<!tpu.dma_semaphore, #tpu.memory_space<semaphore_mem>>)
    tpu.enqueue_dma source(%arg6 : memref<16xf32, #tpu.memory_space<hbm>>) target(%arg20 : memref<16xf32, #tpu.memory_space<vmem>>) target_semaphore(%arg24 : memref<!tpu.dma_semaphore, #tpu.memory_space<semaphore_mem>>)
    %dma_wait3A = tpu.memref_slice %arg2[%mul3A_2] : memref<16384xi32, #tpu.memory_space<hbm>> -> memref<512xi32, #tpu.memory_space<hbm>>
    %dma_wait3A_14 = tpu.memref_slice %arg2[%mul3A_2] : memref<16384xi32, #tpu.memory_space<hbm>> -> memref<512xi32, #tpu.memory_space<hbm>>
    tpu.wait_dma2 semaphore(%arg22 : memref<!tpu.dma_semaphore, #tpu.memory_space<semaphore_mem>>) src(%dma_wait3A_14 : memref<512xi32, #tpu.memory_space<hbm>>) dst(%arg12 : memref<512xi32, #tpu.memory_space<vmem>>)
    %dma_wait3A_15 = tpu.memref_slice %arg3[%mul3A_2] : memref<16384xi32, #tpu.memory_space<hbm>> -> memref<512xi32, #tpu.memory_space<hbm>>
    %dma_wait3A_16 = tpu.memref_slice %arg3[%mul3A_2] : memref<16384xi32, #tpu.memory_space<hbm>> -> memref<512xi32, #tpu.memory_space<hbm>>
    tpu.wait_dma2 semaphore(%arg23 : memref<!tpu.dma_semaphore, #tpu.memory_space<semaphore_mem>>) src(%dma_wait3A_16 : memref<512xi32, #tpu.memory_space<hbm>>) dst(%arg13 : memref<512xi32, #tpu.memory_space<vmem>>)
    %dma_start3A_17 = arith.constant 0 : i32
    %dma_start3A_18 = tpu.memref_slice %arg7[%dma_start3A_17] : memref<100000xf32, #tpu.memory_space<hbm>> -> memref<100000xf32, #tpu.memory_space<hbm>>
    tpu.enqueue_indirect_dma source(%dma_start3A_18 : memref<100000xf32, #tpu.memory_space<hbm>>) target(%arg14 : memref<512xf32, #tpu.memory_space<vmem>>) offsets(%arg12 : memref<512xi32, #tpu.memory_space<vmem>>) semaphore(%arg22 : memref<!tpu.dma_semaphore, #tpu.memory_space<semaphore_mem>>)
    %dma_start3A_19 = arith.constant 0 : i32
    %dma_start3A_20 = tpu.memref_slice %arg8[%dma_start3A_19] : memref<100001xf32, #tpu.memory_space<hbm>> -> memref<100001xf32, #tpu.memory_space<hbm>>
    tpu.enqueue_indirect_dma source(%dma_start3A_20 : memref<100001xf32, #tpu.memory_space<hbm>>) target(%arg15 : memref<512xf32, #tpu.memory_space<vmem>>) offsets(%arg13 : memref<512xi32, #tpu.memory_space<vmem>>) semaphore(%arg23 : memref<!tpu.dma_semaphore, #tpu.memory_space<semaphore_mem>>)
    "tpu.trace_stop"() : () -> ()
    "tpu.trace_start"() <{level = 10 : i32, message = "wait_slab"}> : () -> ()
    %dma_wait3A_21 = arith.constant 0 : i32
    %dma_wait3A_22 = tpu.memref_slice %arg4[%dma_wait3A_21, %mul3A_2] : memref<26x16384xi32, #tpu.memory_space<hbm>> -> memref<26x512xi32, #tpu.memory_space<hbm>>
    %dma_wait3A_23 = arith.constant 0 : i32
    %dma_wait3A_24 = tpu.memref_slice %arg4[%dma_wait3A_23, %mul3A_2] : memref<26x16384xi32, #tpu.memory_space<hbm>> -> memref<26x512xi32, #tpu.memory_space<hbm>>
    tpu.wait_dma2 semaphore(%arg24 : memref<!tpu.dma_semaphore, #tpu.memory_space<semaphore_mem>>) src(%dma_wait3A_24 : memref<26x512xi32, #tpu.memory_space<hbm>>) dst(%arg16 : memref<26x512xi32, #tpu.memory_space<vmem>>)
    %dma_wait3A_25 = arith.constant 0 : i32
    %dma_wait3A_26 = tpu.memref_slice %arg5[%dma_wait3A_25, %mul3A_2] : memref<8x16384xi32, #tpu.memory_space<hbm>> -> memref<8x512xi32, #tpu.memory_space<hbm>>
    %dma_wait3A_27 = arith.constant 0 : i32
    %dma_wait3A_28 = tpu.memref_slice %arg5[%dma_wait3A_27, %mul3A_2] : memref<8x16384xi32, #tpu.memory_space<hbm>> -> memref<8x512xi32, #tpu.memory_space<hbm>>
    tpu.wait_dma2 semaphore(%arg24 : memref<!tpu.dma_semaphore, #tpu.memory_space<semaphore_mem>>) src(%dma_wait3A_28 : memref<8x512xi32, #tpu.memory_space<hbm>>) dst(%arg17 : memref<8x512xi32, #tpu.memory_space<vmem>>)
    tpu.wait_dma2 semaphore(%arg24 : memref<!tpu.dma_semaphore, #tpu.memory_space<semaphore_mem>>) src(%arg6 : memref<16xf32, #tpu.memory_space<hbm>>) dst(%arg20 : memref<16xf32, #tpu.memory_space<vmem>>)
    tpu.wait_dma2 semaphore(%arg24 : memref<!tpu.dma_semaphore, #tpu.memory_space<semaphore_mem>>) src(%arg10 : memref<8x100xf32, #tpu.memory_space<hbm>>) dst(%arg19 : memref<8x100xf32, #tpu.memory_space<vmem>>)
    "tpu.trace_stop"() : () -> ()
    %get3A = arith.constant 0 : index
    %get3A_29 = tpu.vector_load %arg20[%get3A] {strides = array<i32>} : memref<16xf32, #tpu.memory_space<vmem>>, vector<16xf32>,
    %parallel_loop3A = arith.constant 0 : i32
    %parallel_loop3A_30 = arith.constant 32 : i32
    %parallel_loop3A_31 = arith.constant 1 : i32
    "tpu.trace_start"() <{level = 10 : i32, message = "pass1_ctx"}> : () -> ()
    scf.for %parallel_loop3A_39 = %parallel_loop3A to %parallel_loop3A_30 step %parallel_loop3A_31  : i32 {
      %parallel_loop3A_40 = arith.constant 16 : i32
      %parallel_loop3A_41 = arith.muli %parallel_loop3A_39, %parallel_loop3A_40 : i32
      %parallel_loop3A_42 = arith.constant 0 : i32
      %parallel_loop3A_43 = vector.broadcast %parallel_loop3A_42 : i32 to vector<16xi32>
      %parallel_loop3A_44 = arith.constant 0 : i32
      %parallel_loop3A_45 = arith.index_cast %parallel_loop3A_44 : i32 to index
      %parallel_loop3A_46 = arith.index_cast %parallel_loop3A_41 : i32 to index
      %parallel_loop3A_47 = tpu.vector_load %arg17[%parallel_loop3A_45, %parallel_loop3A_46] {strides = array<i32>} : memref<8x512xi32, #tpu.memory_space<vmem>>, vector<16xi32>,
      %parallel_loop3A_48 = tpu.vector_load_idx %arg19[%parallel_loop3A_43, %parallel_loop3A_47] : memref<8x100xf32, #tpu.memory_space<vmem>>[vector<16xi32>, vector<16xi32>], vector<16xf32>,
      %parallel_loop3A_49 = arith.addf %get3A_29, %parallel_loop3A_48 : vector<16xf32>
      %parallel_loop3A_50 = arith.constant 1 : i32
      %parallel_loop3A_51 = vector.broadcast %parallel_loop3A_50 : i32 to vector<16xi32>
      %parallel_loop3A_52 = arith.constant 1 : i32
      %parallel_loop3A_53 = arith.index_cast %parallel_loop3A_52 : i32 to index
      %parallel_loop3A_54 = arith.index_cast %parallel_loop3A_41 : i32 to index
      %parallel_loop3A_55 = tpu.vector_load %arg17[%parallel_loop3A_53, %parallel_loop3A_54] {strides = array<i32>} : memref<8x512xi32, #tpu.memory_space<vmem>>, vector<16xi32>,
      %parallel_loop3A_56 = tpu.vector_load_idx %arg19[%parallel_loop3A_51, %parallel_loop3A_55] : memref<8x100xf32, #tpu.memory_space<vmem>>[vector<16xi32>, vector<16xi32>], vector<16xf32>,
      %parallel_loop3A_57 = arith.addf %parallel_loop3A_49, %parallel_loop3A_56 : vector<16xf32>
      %parallel_loop3A_58 = arith.constant 2 : i32
      %parallel_loop3A_59 = vector.broadcast %parallel_loop3A_58 : i32 to vector<16xi32>
      %parallel_loop3A_60 = arith.constant 2 : i32
      %parallel_loop3A_61 = arith.index_cast %parallel_loop3A_60 : i32 to index
      %parallel_loop3A_62 = arith.index_cast %parallel_loop3A_41 : i32 to index
      %parallel_loop3A_63 = tpu.vector_load %arg17[%parallel_loop3A_61, %parallel_loop3A_62] {strides = array<i32>} : memref<8x512xi32, #tpu.memory_space<vmem>>, vector<16xi32>,
      %parallel_loop3A_64 = tpu.vector_load_idx %arg19[%parallel_loop3A_59, %parallel_loop3A_63] : memref<8x100xf32, #tpu.memory_space<vmem>>[vector<16xi32>, vector<16xi32>], vector<16xf32>,
      %parallel_loop3A_65 = arith.addf %parallel_loop3A_57, %parallel_loop3A_64 : vector<16xf32>
      %parallel_loop3A_66 = arith.constant 3 : i32
      %parallel_loop3A_67 = vector.broadcast %parallel_loop3A_66 : i32 to vector<16xi32>
      %parallel_loop3A_68 = arith.constant 3 : i32
      %parallel_loop3A_69 = arith.index_cast %parallel_loop3A_68 : i32 to index
      %parallel_loop3A_70 = arith.index_cast %parallel_loop3A_41 : i32 to index
      %parallel_loop3A_71 = tpu.vector_load %arg17[%parallel_loop3A_69, %parallel_loop3A_70] {strides = array<i32>} : memref<8x512xi32, #tpu.memory_space<vmem>>, vector<16xi32>,
      %parallel_loop3A_72 = tpu.vector_load_idx %arg19[%parallel_loop3A_67, %parallel_loop3A_71] : memref<8x100xf32, #tpu.memory_space<vmem>>[vector<16xi32>, vector<16xi32>], vector<16xf32>,
      %parallel_loop3A_73 = arith.addf %parallel_loop3A_65, %parallel_loop3A_72 : vector<16xf32>
      %parallel_loop3A_74 = arith.constant 4 : i32
      %parallel_loop3A_75 = vector.broadcast %parallel_loop3A_74 : i32 to vector<16xi32>
      %parallel_loop3A_76 = arith.constant 4 : i32
      %parallel_loop3A_77 = arith.index_cast %parallel_loop3A_76 : i32 to index
      %parallel_loop3A_78 = arith.index_cast %parallel_loop3A_41 : i32 to index
      %parallel_loop3A_79 = tpu.vector_load %arg17[%parallel_loop3A_77, %parallel_loop3A_78] {strides = array<i32>} : memref<8x512xi32, #tpu.memory_space<vmem>>, vector<16xi32>,
      %parallel_loop3A_80 = tpu.vector_load_idx %arg19[%parallel_loop3A_75, %parallel_loop3A_79] : memref<8x100xf32, #tpu.memory_space<vmem>>[vector<16xi32>, vector<16xi32>], vector<16xf32>,
      %parallel_loop3A_81 = arith.addf %parallel_loop3A_73, %parallel_loop3A_80 : vector<16xf32>
      %parallel_loop3A_82 = arith.constant 5 : i32
      %parallel_loop3A_83 = vector.broadcast %parallel_loop3A_82 : i32 to vector<16xi32>
      %parallel_loop3A_84 = arith.constant 5 : i32
      %parallel_loop3A_85 = arith.index_cast %parallel_loop3A_84 : i32 to index
      %parallel_loop3A_86 = arith.index_cast %parallel_loop3A_41 : i32 to index
      %parallel_loop3A_87 = tpu.vector_load %arg17[%parallel_loop3A_85, %parallel_loop3A_86] {strides = array<i32>} : memref<8x512xi32, #tpu.memory_space<vmem>>, vector<16xi32>,
      %parallel_loop3A_88 = tpu.vector_load_idx %arg19[%parallel_loop3A_83, %parallel_loop3A_87] : memref<8x100xf32, #tpu.memory_space<vmem>>[vector<16xi32>, vector<16xi32>], vector<16xf32>,
      %parallel_loop3A_89 = arith.addf %parallel_loop3A_81, %parallel_loop3A_88 : vector<16xf32>
      %parallel_loop3A_90 = arith.constant 6 : i32
      %parallel_loop3A_91 = vector.broadcast %parallel_loop3A_90 : i32 to vector<16xi32>
      %parallel_loop3A_92 = arith.constant 6 : i32
      %parallel_loop3A_93 = arith.index_cast %parallel_loop3A_92 : i32 to index
      %parallel_loop3A_94 = arith.index_cast %parallel_loop3A_41 : i32 to index
      %parallel_loop3A_95 = tpu.vector_load %arg17[%parallel_loop3A_93, %parallel_loop3A_94] {strides = array<i32>} : memref<8x512xi32, #tpu.memory_space<vmem>>, vector<16xi32>,
      %parallel_loop3A_96 = tpu.vector_load_idx %arg19[%parallel_loop3A_91, %parallel_loop3A_95] : memref<8x100xf32, #tpu.memory_space<vmem>>[vector<16xi32>, vector<16xi32>], vector<16xf32>,
      %parallel_loop3A_97 = arith.addf %parallel_loop3A_89, %parallel_loop3A_96 : vector<16xf32>
      %parallel_loop3A_98 = arith.constant 7 : i32
      %parallel_loop3A_99 = vector.broadcast %parallel_loop3A_98 : i32 to vector<16xi32>
      %parallel_loop3A_100 = arith.constant 7 : i32
      %parallel_loop3A_101 = arith.index_cast %parallel_loop3A_100 : i32 to index
      %parallel_loop3A_102 = arith.index_cast %parallel_loop3A_41 : i32 to index
      %parallel_loop3A_103 = tpu.vector_load %arg17[%parallel_loop3A_101, %parallel_loop3A_102] {strides = array<i32>} : memref<8x512xi32, #tpu.memory_space<vmem>>, vector<16xi32>,
      %parallel_loop3A_104 = tpu.vector_load_idx %arg19[%parallel_loop3A_99, %parallel_loop3A_103] : memref<8x100xf32, #tpu.memory_space<vmem>>[vector<16xi32>, vector<16xi32>], vector<16xf32>,
      %parallel_loop3A_105 = arith.addf %parallel_loop3A_97, %parallel_loop3A_104 : vector<16xf32>
      %parallel_loop3A_106 = arith.index_cast %parallel_loop3A_41 : i32 to index
      %parallel_loop3A_107 = tpu.vector_load %arg21[%parallel_loop3A_106] {strides = array<i32>} : memref<512xf32, #tpu.memory_space<vmem>>, vector<16xf32>,
      tpu.vector_store %arg21[%parallel_loop3A_106], %parallel_loop3A_105 {strides = array<i32>} : memref<512xf32, #tpu.memory_space<vmem>>, vector<16xf32>,
    } {sc.loop_unroll_factor = 2 : i64, sc.parallel_access}
    "tpu.trace_stop"() : () -> ()
    "tpu.trace_start"() <{level = 10 : i32, message = "wait_ui2"}> : () -> ()
    %dma_wait3A_32 = arith.constant 0 : i32
    %dma_wait3A_33 = tpu.memref_slice %arg7[%dma_wait3A_32] : memref<100000xf32, #tpu.memory_space<hbm>> -> memref<100000xf32, #tpu.memory_space<hbm>>
    tpu.wait_indirect_dma semaphore(%arg22 : memref<!tpu.dma_semaphore, #tpu.memory_space<semaphore_mem>>) src(%dma_wait3A_33 : memref<100000xf32, #tpu.memory_space<hbm>>) dst(%arg14 : memref<512xf32, #tpu.memory_space<vmem>>)
    %dma_wait3A_34 = arith.constant 0 : i32
    %dma_wait3A_35 = tpu.memref_slice %arg8[%dma_wait3A_34] : memref<100001xf32, #tpu.memory_space<hbm>> -> memref<100001xf32, #tpu.memory_space<hbm>>
    tpu.wait_indirect_dma semaphore(%arg23 : memref<!tpu.dma_semaphore, #tpu.memory_space<semaphore_mem>>) src(%dma_wait3A_35 : memref<100001xf32, #tpu.memory_space<hbm>>) dst(%arg15 : memref<512xf32, #tpu.memory_space<vmem>>)
    "tpu.trace_stop"() : () -> ()
    "tpu.trace_start"() <{level = 10 : i32, message = "wait_ftab"}> : () -> ()
    tpu.wait_dma2 semaphore(%arg25 : memref<!tpu.dma_semaphore, #tpu.memory_space<semaphore_mem>>) src(%arg9 : memref<26x1000xf32, #tpu.memory_space<hbm>>) dst(%arg18 : memref<26x1000xf32, #tpu.memory_space<vmem>>)
    %parallel_loop3A_36 = arith.constant 0 : i32
    %parallel_loop3A_37 = arith.constant 32 : i32
    %parallel_loop3A_38 = arith.constant 1 : i32
    "tpu.trace_stop"() : () -> ()
    "tpu.trace_start"() <{level = 10 : i32, message = "pass2_feat"}> : () -> ()
    scf.for %parallel_loop3A_39 = %parallel_loop3A_36 to %parallel_loop3A_37 step %parallel_loop3A_38  : i32 {
      %parallel_loop3A_40 = arith.constant 16 : i32
      %parallel_loop3A_41 = arith.muli %parallel_loop3A_39, %parallel_loop3A_40 : i32
      %parallel_loop3A_42 = arith.index_cast %parallel_loop3A_41 : i32 to index
      %parallel_loop3A_43 = tpu.vector_load %arg21[%parallel_loop3A_42] {strides = array<i32>} : memref<512xf32, #tpu.memory_space<vmem>>, vector<16xf32>,
      %parallel_loop3A_44 = arith.index_cast %parallel_loop3A_41 : i32 to index
      %parallel_loop3A_45 = tpu.vector_load %arg14[%parallel_loop3A_44] {strides = array<i32>} : memref<512xf32, #tpu.memory_space<vmem>>, vector<16xf32>,
      %parallel_loop3A_46 = arith.addf %parallel_loop3A_43, %parallel_loop3A_45 : vector<16xf32>
      %parallel_loop3A_47 = arith.index_cast %parallel_loop3A_41 : i32 to index
      %parallel_loop3A_48 = tpu.vector_load %arg15[%parallel_loop3A_47] {strides = array<i32>} : memref<512xf32, #tpu.memory_space<vmem>>, vector<16xf32>,
      %parallel_loop3A_49 = arith.addf %parallel_loop3A_46, %parallel_loop3A_48 : vector<16xf32>
      %parallel_loop3A_50 = arith.constant 0 : i32
      %parallel_loop3A_51 = vector.broadcast %parallel_loop3A_50 : i32 to vector<16xi32>
      %parallel_loop3A_52 = arith.constant 0 : i32
      %parallel_loop3A_53 = arith.index_cast %parallel_loop3A_52 : i32 to index
      %parallel_loop3A_54 = arith.index_cast %parallel_loop3A_41 : i32 to index
      %parallel_loop3A_55 = tpu.vector_load %arg16[%parallel_loop3A_53, %parallel_loop3A_54] {strides = array<i32>} : memref<26x512xi32, #tpu.memory_space<vmem>>, vector<16xi32>,
      %parallel_loop3A_56 = tpu.vector_load_idx %arg18[%parallel_loop3A_51, %parallel_loop3A_55] : memref<26x1000xf32, #tpu.memory_space<vmem>>[vector<16xi32>, vector<16xi32>], vector<16xf32>,
      %parallel_loop3A_57 = arith.addf %parallel_loop3A_49, %parallel_loop3A_56 : vector<16xf32>
      %parallel_loop3A_58 = arith.constant 1 : i32
      %parallel_loop3A_59 = vector.broadcast %parallel_loop3A_58 : i32 to vector<16xi32>
      %parallel_loop3A_60 = arith.constant 1 : i32
      %parallel_loop3A_61 = arith.index_cast %parallel_loop3A_60 : i32 to index
      %parallel_loop3A_62 = arith.index_cast %parallel_loop3A_41 : i32 to index
      %parallel_loop3A_63 = tpu.vector_load %arg16[%parallel_loop3A_61, %parallel_loop3A_62] {strides = array<i32>} : memref<26x512xi32, #tpu.memory_space<vmem>>, vector<16xi32>,
      %parallel_loop3A_64 = tpu.vector_load_idx %arg18[%parallel_loop3A_59, %parallel_loop3A_63] : memref<26x1000xf32, #tpu.memory_space<vmem>>[vector<16xi32>, vector<16xi32>], vector<16xf32>,
      %parallel_loop3A_65 = arith.addf %parallel_loop3A_57, %parallel_loop3A_64 : vector<16xf32>
      %parallel_loop3A_66 = arith.constant 2 : i32
      %parallel_loop3A_67 = vector.broadcast %parallel_loop3A_66 : i32 to vector<16xi32>
      %parallel_loop3A_68 = arith.constant 2 : i32
      %parallel_loop3A_69 = arith.index_cast %parallel_loop3A_68 : i32 to index
      %parallel_loop3A_70 = arith.index_cast %parallel_loop3A_41 : i32 to index
      %parallel_loop3A_71 = tpu.vector_load %arg16[%parallel_loop3A_69, %parallel_loop3A_70] {strides = array<i32>} : memref<26x512xi32, #tpu.memory_space<vmem>>, vector<16xi32>,
      %parallel_loop3A_72 = tpu.vector_load_idx %arg18[%parallel_loop3A_67, %parallel_loop3A_71] : memref<26x1000xf32, #tpu.memory_space<vmem>>[vector<16xi32>, vector<16xi32>], vector<16xf32>,
      %parallel_loop3A_73 = arith.addf %parallel_loop3A_65, %parallel_loop3A_72 : vector<16xf32>
      %parallel_loop3A_74 = arith.constant 3 : i32
      %parallel_loop3A_75 = vector.broadcast %parallel_loop3A_74 : i32 to vector<16xi32>
      %parallel_loop3A_76 = arith.constant 3 : i32
      %parallel_loop3A_77 = arith.index_cast %parallel_loop3A_76 : i32 to index
      %parallel_loop3A_78 = arith.index_cast %parallel_loop3A_41 : i32 to index
      %parallel_loop3A_79 = tpu.vector_load %arg16[%parallel_loop3A_77, %parallel_loop3A_78] {strides = array<i32>} : memref<26x512xi32, #tpu.memory_space<vmem>>, vector<16xi32>,
      %parallel_loop3A_80 = tpu.vector_load_idx %arg18[%parallel_loop3A_75, %parallel_loop3A_79] : memref<26x1000xf32, #tpu.memory_space<vmem>>[vector<16xi32>, vector<16xi32>], vector<16xf32>,
      %parallel_loop3A_81 = arith.addf %parallel_loop3A_73, %parallel_loop3A_80 : vector<16xf32>
      %parallel_loop3A_82 = arith.constant 4 : i32
      %parallel_loop3A_83 = vector.broadcast %parallel_loop3A_82 : i32 to vector<16xi32>
      %parallel_loop3A_84 = arith.constant 4 : i32
      %parallel_loop3A_85 = arith.index_cast %parallel_loop3A_84 : i32 to index
      %parallel_loop3A_86 = arith.index_cast %parallel_loop3A_41 : i32 to index
      %parallel_loop3A_87 = tpu.vector_load %arg16[%parallel_loop3A_85, %parallel_loop3A_86] {strides = array<i32>} : memref<26x512xi32, #tpu.memory_space<vmem>>, vector<16xi32>,
      %parallel_loop3A_88 = tpu.vector_load_idx %arg18[%parallel_loop3A_83, %parallel_loop3A_87] : memref<26x1000xf32, #tpu.memory_space<vmem>>[vector<16xi32>, vector<16xi32>], vector<16xf32>,
      %parallel_loop3A_89 = arith.addf %parallel_loop3A_81, %parallel_loop3A_88 : vector<16xf32>
      %parallel_loop3A_90 = arith.constant 5 : i32
      %parallel_loop3A_91 = vector.broadcast %parallel_loop3A_90 : i32 to vector<16xi32>
      %parallel_loop3A_92 = arith.constant 5 : i32
      %parallel_loop3A_93 = arith.index_cast %parallel_loop3A_92 : i32 to index
      %parallel_loop3A_94 = arith.index_cast %parallel_loop3A_41 : i32 to index
      %parallel_loop3A_95 = tpu.vector_load %arg16[%parallel_loop3A_93, %parallel_loop3A_94] {strides = array<i32>} : memref<26x512xi32, #tpu.memory_space<vmem>>, vector<16xi32>,
      %parallel_loop3A_96 = tpu.vector_load_idx %arg18[%parallel_loop3A_91, %parallel_loop3A_95] : memref<26x1000xf32, #tpu.memory_space<vmem>>[vector<16xi32>, vector<16xi32>], vector<16xf32>,
      %parallel_loop3A_97 = arith.addf %parallel_loop3A_89, %parallel_loop3A_96 : vector<16xf32>
      %parallel_loop3A_98 = arith.constant 6 : i32
      %parallel_loop3A_99 = vector.broadcast %parallel_loop3A_98 : i32 to vector<16xi32>
      %parallel_loop3A_100 = arith.constant 6 : i32
      %parallel_loop3A_101 = arith.index_cast %parallel_loop3A_100 : i32 to index
      %parallel_loop3A_102 = arith.index_cast %parallel_loop3A_41 : i32 to index
      %parallel_loop3A_103 = tpu.vector_load %arg16[%parallel_loop3A_101, %parallel_loop3A_102] {strides = array<i32>} : memref<26x512xi32, #tpu.memory_space<vmem>>, vector<16xi32>,
      %parallel_loop3A_104 = tpu.vector_load_idx %arg18[%parallel_loop3A_99, %parallel_loop3A_103] : memref<26x1000xf32, #tpu.memory_space<vmem>>[vector<16xi32>, vector<16xi32>], vector<16xf32>,
      %parallel_loop3A_105 = arith.addf %parallel_loop3A_97, %parallel_loop3A_104 : vector<16xf32>
      %parallel_loop3A_106 = arith.constant 7 : i32
      %parallel_loop3A_107 = vector.broadcast %parallel_loop3A_106 : i32 to vector<16xi32>
      %parallel_loop3A_108 = arith.constant 7 : i32
      %parallel_loop3A_109 = arith.index_cast %parallel_loop3A_108 : i32 to index
      %parallel_loop3A_110 = arith.index_cast %parallel_loop3A_41 : i32 to index
      %parallel_loop3A_111 = tpu.vector_load %arg16[%parallel_loop3A_109, %parallel_loop3A_110] {strides = array<i32>} : memref<26x512xi32, #tpu.memory_space<vmem>>, vector<16xi32>,
      %parallel_loop3A_112 = tpu.vector_load_idx %arg18[%parallel_loop3A_107, %parallel_loop3A_111] : memref<26x1000xf32, #tpu.memory_space<vmem>>[vector<16xi32>, vector<16xi32>], vector<16xf32>,
      %parallel_loop3A_113 = arith.addf %parallel_loop3A_105, %parallel_loop3A_112 : vector<16xf32>
      %parallel_loop3A_114 = arith.constant 8 : i32
      %parallel_loop3A_115 = vector.broadcast %parallel_loop3A_114 : i32 to vector<16xi32>
      %parallel_loop3A_116 = arith.constant 8 : i32
      %parallel_loop3A_117 = arith.index_cast %parallel_loop3A_116 : i32 to index
      %parallel_loop3A_118 = arith.index_cast %parallel_loop3A_41 : i32 to index
      %parallel_loop3A_119 = tpu.vector_load %arg16[%parallel_loop3A_117, %parallel_loop3A_118] {strides = array<i32>} : memref<26x512xi32, #tpu.memory_space<vmem>>, vector<16xi32>,
      %parallel_loop3A_120 = tpu.vector_load_idx %arg18[%parallel_loop3A_115, %parallel_loop3A_119] : memref<26x1000xf32, #tpu.memory_space<vmem>>[vector<16xi32>, vector<16xi32>], vector<16xf32>,
      %parallel_loop3A_121 = arith.addf %parallel_loop3A_113, %parallel_loop3A_120 : vector<16xf32>
      %parallel_loop3A_122 = arith.constant 9 : i32
      %parallel_loop3A_123 = vector.broadcast %parallel_loop3A_122 : i32 to vector<16xi32>
      %parallel_loop3A_124 = arith.constant 9 : i32
      %parallel_loop3A_125 = arith.index_cast %parallel_loop3A_124 : i32 to index
      %parallel_loop3A_126 = arith.index_cast %parallel_loop3A_41 : i32 to index
      %parallel_loop3A_127 = tpu.vector_load %arg16[%parallel_loop3A_125, %parallel_loop3A_126] {strides = array<i32>} : memref<26x512xi32, #tpu.memory_space<vmem>>, vector<16xi32>,
      %parallel_loop3A_128 = tpu.vector_load_idx %arg18[%parallel_loop3A_123, %parallel_loop3A_127] : memref<26x1000xf32, #tpu.memory_space<vmem>>[vector<16xi32>, vector<16xi32>], vector<16xf32>,
      %parallel_loop3A_129 = arith.addf %parallel_loop3A_121, %parallel_loop3A_128 : vector<16xf32>
      %parallel_loop3A_130 = arith.constant 10 : i32
      %parallel_loop3A_131 = vector.broadcast %parallel_loop3A_130 : i32 to vector<16xi32>
      %parallel_loop3A_132 = arith.constant 10 : i32
      %parallel_loop3A_133 = arith.index_cast %parallel_loop3A_132 : i32 to index
      %parallel_loop3A_134 = arith.index_cast %parallel_loop3A_41 : i32 to index
      %parallel_loop3A_135 = tpu.vector_load %arg16[%parallel_loop3A_133, %parallel_loop3A_134] {strides = array<i32>} : memref<26x512xi32, #tpu.memory_space<vmem>>, vector<16xi32>,
      %parallel_loop3A_136 = tpu.vector_load_idx %arg18[%parallel_loop3A_131, %parallel_loop3A_135] : memref<26x1000xf32, #tpu.memory_space<vmem>>[vector<16xi32>, vector<16xi32>], vector<16xf32>,
      %parallel_loop3A_137 = arith.addf %parallel_loop3A_129, %parallel_loop3A_136 : vector<16xf32>
      %parallel_loop3A_138 = arith.constant 11 : i32
      %parallel_loop3A_139 = vector.broadcast %parallel_loop3A_138 : i32 to vector<16xi32>
      %parallel_loop3A_140 = arith.constant 11 : i32
      %parallel_loop3A_141 = arith.index_cast %parallel_loop3A_140 : i32 to index
      %parallel_loop3A_142 = arith.index_cast %parallel_loop3A_41 : i32 to index
      %parallel_loop3A_143 = tpu.vector_load %arg16[%parallel_loop3A_141, %parallel_loop3A_142] {strides = array<i32>} : memref<26x512xi32, #tpu.memory_space<vmem>>, vector<16xi32>,
      %parallel_loop3A_144 = tpu.vector_load_idx %arg18[%parallel_loop3A_139, %parallel_loop3A_143] : memref<26x1000xf32, #tpu.memory_space<vmem>>[vector<16xi32>, vector<16xi32>], vector<16xf32>,
      %parallel_loop3A_145 = arith.addf %parallel_loop3A_137, %parallel_loop3A_144 : vector<16xf32>
      %parallel_loop3A_146 = arith.constant 12 : i32
      %parallel_loop3A_147 = vector.broadcast %parallel_loop3A_146 : i32 to vector<16xi32>
      %parallel_loop3A_148 = arith.constant 12 : i32
      %parallel_loop3A_149 = arith.index_cast %parallel_loop3A_148 : i32 to index
      %parallel_loop3A_150 = arith.index_cast %parallel_loop3A_41 : i32 to index
      %parallel_loop3A_151 = tpu.vector_load %arg16[%parallel_loop3A_149, %parallel_loop3A_150] {strides = array<i32>} : memref<26x512xi32, #tpu.memory_space<vmem>>, vector<16xi32>,
      %parallel_loop3A_152 = tpu.vector_load_idx %arg18[%parallel_loop3A_147, %parallel_loop3A_151] : memref<26x1000xf32, #tpu.memory_space<vmem>>[vector<16xi32>, vector<16xi32>], vector<16xf32>,
      %parallel_loop3A_153 = arith.addf %parallel_loop3A_145, %parallel_loop3A_152 : vector<16xf32>
      %parallel_loop3A_154 = arith.constant 13 : i32
      %parallel_loop3A_155 = vector.broadcast %parallel_loop3A_154 : i32 to vector<16xi32>
      %parallel_loop3A_156 = arith.constant 13 : i32
      %parallel_loop3A_157 = arith.index_cast %parallel_loop3A_156 : i32 to index
      %parallel_loop3A_158 = arith.index_cast %parallel_loop3A_41 : i32 to index
      %parallel_loop3A_159 = tpu.vector_load %arg16[%parallel_loop3A_157, %parallel_loop3A_158] {strides = array<i32>} : memref<26x512xi32, #tpu.memory_space<vmem>>, vector<16xi32>,
      %parallel_loop3A_160 = tpu.vector_load_idx %arg18[%parallel_loop3A_155, %parallel_loop3A_159] : memref<26x1000xf32, #tpu.memory_space<vmem>>[vector<16xi32>, vector<16xi32>], vector<16xf32>,
      %parallel_loop3A_161 = arith.addf %parallel_loop3A_153, %parallel_loop3A_160 : vector<16xf32>
      %parallel_loop3A_162 = arith.constant 14 : i32
      %parallel_loop3A_163 = vector.broadcast %parallel_loop3A_162 : i32 to vector<16xi32>
      %parallel_loop3A_164 = arith.constant 14 : i32
      %parallel_loop3A_165 = arith.index_cast %parallel_loop3A_164 : i32 to index
      %parallel_loop3A_166 = arith.index_cast %parallel_loop3A_41 : i32 to index
      %parallel_loop3A_167 = tpu.vector_load %arg16[%parallel_loop3A_165, %parallel_loop3A_166] {strides = array<i32>} : memref<26x512xi32, #tpu.memory_space<vmem>>, vector<16xi32>,
      %parallel_loop3A_168 = tpu.vector_load_idx %arg18[%parallel_loop3A_163, %parallel_loop3A_167] : memref<26x1000xf32, #tpu.memory_space<vmem>>[vector<16xi32>, vector<16xi32>], vector<16xf32>,
      %parallel_loop3A_169 = arith.addf %parallel_loop3A_161, %parallel_loop3A_168 : vector<16xf32>
      %parallel_loop3A_170 = arith.constant 15 : i32
      %parallel_loop3A_171 = vector.broadcast %parallel_loop3A_170 : i32 to vector<16xi32>
      %parallel_loop3A_172 = arith.constant 15 : i32
      %parallel_loop3A_173 = arith.index_cast %parallel_loop3A_172 : i32 to index
      %parallel_loop3A_174 = arith.index_cast %parallel_loop3A_41 : i32 to index
      %parallel_loop3A_175 = tpu.vector_load %arg16[%parallel_loop3A_173, %parallel_loop3A_174] {strides = array<i32>} : memref<26x512xi32, #tpu.memory_space<vmem>>, vector<16xi32>,
      %parallel_loop3A_176 = tpu.vector_load_idx %arg18[%parallel_loop3A_171, %parallel_loop3A_175] : memref<26x1000xf32, #tpu.memory_space<vmem>>[vector<16xi32>, vector<16xi32>], vector<16xf32>,
      %parallel_loop3A_177 = arith.addf %parallel_loop3A_169, %parallel_loop3A_176 : vector<16xf32>
      %parallel_loop3A_178 = arith.constant 16 : i32
      %parallel_loop3A_179 = vector.broadcast %parallel_loop3A_178 : i32 to vector<16xi32>
      %parallel_loop3A_180 = arith.constant 16 : i32
      %parallel_loop3A_181 = arith.index_cast %parallel_loop3A_180 : i32 to index
      %parallel_loop3A_182 = arith.index_cast %parallel_loop3A_41 : i32 to index
      %parallel_loop3A_183 = tpu.vector_load %arg16[%parallel_loop3A_181, %parallel_loop3A_182] {strides = array<i32>} : memref<26x512xi32, #tpu.memory_space<vmem>>, vector<16xi32>,
      %parallel_loop3A_184 = tpu.vector_load_idx %arg18[%parallel_loop3A_179, %parallel_loop3A_183] : memref<26x1000xf32, #tpu.memory_space<vmem>>[vector<16xi32>, vector<16xi32>], vector<16xf32>,
      %parallel_loop3A_185 = arith.addf %parallel_loop3A_177, %parallel_loop3A_184 : vector<16xf32>
      %parallel_loop3A_186 = arith.constant 17 : i32
      %parallel_loop3A_187 = vector.broadcast %parallel_loop3A_186 : i32 to vector<16xi32>
      %parallel_loop3A_188 = arith.constant 17 : i32
      %parallel_loop3A_189 = arith.index_cast %parallel_loop3A_188 : i32 to index
      %parallel_loop3A_190 = arith.index_cast %parallel_loop3A_41 : i32 to index
      %parallel_loop3A_191 = tpu.vector_load %arg16[%parallel_loop3A_189, %parallel_loop3A_190] {strides = array<i32>} : memref<26x512xi32, #tpu.memory_space<vmem>>, vector<16xi32>,
      %parallel_loop3A_192 = tpu.vector_load_idx %arg18[%parallel_loop3A_187, %parallel_loop3A_191] : memref<26x1000xf32, #tpu.memory_space<vmem>>[vector<16xi32>, vector<16xi32>], vector<16xf32>,
      %parallel_loop3A_193 = arith.addf %parallel_loop3A_185, %parallel_loop3A_192 : vector<16xf32>
      %parallel_loop3A_194 = arith.constant 18 : i32
      %parallel_loop3A_195 = vector.broadcast %parallel_loop3A_194 : i32 to vector<16xi32>
      %parallel_loop3A_196 = arith.constant 18 : i32
      %parallel_loop3A_197 = arith.index_cast %parallel_loop3A_196 : i32 to index
      %parallel_loop3A_198 = arith.index_cast %parallel_loop3A_41 : i32 to index
      %parallel_loop3A_199 = tpu.vector_load %arg16[%parallel_loop3A_197, %parallel_loop3A_198] {strides = array<i32>} : memref<26x512xi32, #tpu.memory_space<vmem>>, vector<16xi32>,
      %parallel_loop3A_200 = tpu.vector_load_idx %arg18[%parallel_loop3A_195, %parallel_loop3A_199] : memref<26x1000xf32, #tpu.memory_space<vmem>>[vector<16xi32>, vector<16xi32>], vector<16xf32>,
      %parallel_loop3A_201 = arith.addf %parallel_loop3A_193, %parallel_loop3A_200 : vector<16xf32>
      %parallel_loop3A_202 = arith.constant 19 : i32
      %parallel_loop3A_203 = vector.broadcast %parallel_loop3A_202 : i32 to vector<16xi32>
      %parallel_loop3A_204 = arith.constant 19 : i32
      %parallel_loop3A_205 = arith.index_cast %parallel_loop3A_204 : i32 to index
      %parallel_loop3A_206 = arith.index_cast %parallel_loop3A_41 : i32 to index
      %parallel_loop3A_207 = tpu.vector_load %arg16[%parallel_loop3A_205, %parallel_loop3A_206] {strides = array<i32>} : memref<26x512xi32, #tpu.memory_space<vmem>>, vector<16xi32>,
      %parallel_loop3A_208 = tpu.vector_load_idx %arg18[%parallel_loop3A_203, %parallel_loop3A_207] : memref<26x1000xf32, #tpu.memory_space<vmem>>[vector<16xi32>, vector<16xi32>], vector<16xf32>,
      %parallel_loop3A_209 = arith.addf %parallel_loop3A_201, %parallel_loop3A_208 : vector<16xf32>
      %parallel_loop3A_210 = arith.constant 20 : i32
      %parallel_loop3A_211 = vector.broadcast %parallel_loop3A_210 : i32 to vector<16xi32>
      %parallel_loop3A_212 = arith.constant 20 : i32
      %parallel_loop3A_213 = arith.index_cast %parallel_loop3A_212 : i32 to index
      %parallel_loop3A_214 = arith.index_cast %parallel_loop3A_41 : i32 to index
      %parallel_loop3A_215 = tpu.vector_load %arg16[%parallel_loop3A_213, %parallel_loop3A_214] {strides = array<i32>} : memref<26x512xi32, #tpu.memory_space<vmem>>, vector<16xi32>,
      %parallel_loop3A_216 = tpu.vector_load_idx %arg18[%parallel_loop3A_211, %parallel_loop3A_215] : memref<26x1000xf32, #tpu.memory_space<vmem>>[vector<16xi32>, vector<16xi32>], vector<16xf32>,
      %parallel_loop3A_217 = arith.addf %parallel_loop3A_209, %parallel_loop3A_216 : vector<16xf32>
      %parallel_loop3A_218 = arith.constant 21 : i32
      %parallel_loop3A_219 = vector.broadcast %parallel_loop3A_218 : i32 to vector<16xi32>
      %parallel_loop3A_220 = arith.constant 21 : i32
      %parallel_loop3A_221 = arith.index_cast %parallel_loop3A_220 : i32 to index
      %parallel_loop3A_222 = arith.index_cast %parallel_loop3A_41 : i32 to index
      %parallel_loop3A_223 = tpu.vector_load %arg16[%parallel_loop3A_221, %parallel_loop3A_222] {strides = array<i32>} : memref<26x512xi32, #tpu.memory_space<vmem>>, vector<16xi32>,
      %parallel_loop3A_224 = tpu.vector_load_idx %arg18[%parallel_loop3A_219, %parallel_loop3A_223] : memref<26x1000xf32, #tpu.memory_space<vmem>>[vector<16xi32>, vector<16xi32>], vector<16xf32>,
      %parallel_loop3A_225 = arith.addf %parallel_loop3A_217, %parallel_loop3A_224 : vector<16xf32>
      %parallel_loop3A_226 = arith.constant 22 : i32
      %parallel_loop3A_227 = vector.broadcast %parallel_loop3A_226 : i32 to vector<16xi32>
      %parallel_loop3A_228 = arith.constant 22 : i32
      %parallel_loop3A_229 = arith.index_cast %parallel_loop3A_228 : i32 to index
      %parallel_loop3A_230 = arith.index_cast %parallel_loop3A_41 : i32 to index
      %parallel_loop3A_231 = tpu.vector_load %arg16[%parallel_loop3A_229, %parallel_loop3A_230] {strides = array<i32>} : memref<26x512xi32, #tpu.memory_space<vmem>>, vector<16xi32>,
      %parallel_loop3A_232 = tpu.vector_load_idx %arg18[%parallel_loop3A_227, %parallel_loop3A_231] : memref<26x1000xf32, #tpu.memory_space<vmem>>[vector<16xi32>, vector<16xi32>], vector<16xf32>,
      %parallel_loop3A_233 = arith.addf %parallel_loop3A_225, %parallel_loop3A_232 : vector<16xf32>
      %parallel_loop3A_234 = arith.constant 23 : i32
      %parallel_loop3A_235 = vector.broadcast %parallel_loop3A_234 : i32 to vector<16xi32>
      %parallel_loop3A_236 = arith.constant 23 : i32
      %parallel_loop3A_237 = arith.index_cast %parallel_loop3A_236 : i32 to index
      %parallel_loop3A_238 = arith.index_cast %parallel_loop3A_41 : i32 to index
      %parallel_loop3A_239 = tpu.vector_load %arg16[%parallel_loop3A_237, %parallel_loop3A_238] {strides = array<i32>} : memref<26x512xi32, #tpu.memory_space<vmem>>, vector<16xi32>,
      %parallel_loop3A_240 = tpu.vector_load_idx %arg18[%parallel_loop3A_235, %parallel_loop3A_239] : memref<26x1000xf32, #tpu.memory_space<vmem>>[vector<16xi32>, vector<16xi32>], vector<16xf32>,
      %parallel_loop3A_241 = arith.addf %parallel_loop3A_233, %parallel_loop3A_240 : vector<16xf32>
      %parallel_loop3A_242 = arith.constant 24 : i32
      %parallel_loop3A_243 = vector.broadcast %parallel_loop3A_242 : i32 to vector<16xi32>
      %parallel_loop3A_244 = arith.constant 24 : i32
      %parallel_loop3A_245 = arith.index_cast %parallel_loop3A_244 : i32 to index
      %parallel_loop3A_246 = arith.index_cast %parallel_loop3A_41 : i32 to index
      %parallel_loop3A_247 = tpu.vector_load %arg16[%parallel_loop3A_245, %parallel_loop3A_246] {strides = array<i32>} : memref<26x512xi32, #tpu.memory_space<vmem>>, vector<16xi32>,
      %parallel_loop3A_248 = tpu.vector_load_idx %arg18[%parallel_loop3A_243, %parallel_loop3A_247] : memref<26x1000xf32, #tpu.memory_space<vmem>>[vector<16xi32>, vector<16xi32>], vector<16xf32>,
      %parallel_loop3A_249 = arith.addf %parallel_loop3A_241, %parallel_loop3A_248 : vector<16xf32>
      %parallel_loop3A_250 = arith.constant 25 : i32
      %parallel_loop3A_251 = vector.broadcast %parallel_loop3A_250 : i32 to vector<16xi32>
      %parallel_loop3A_252 = arith.constant 25 : i32
      %parallel_loop3A_253 = arith.index_cast %parallel_loop3A_252 : i32 to index
      %parallel_loop3A_254 = arith.index_cast %parallel_loop3A_41 : i32 to index
      %parallel_loop3A_255 = tpu.vector_load %arg16[%parallel_loop3A_253, %parallel_loop3A_254] {strides = array<i32>} : memref<26x512xi32, #tpu.memory_space<vmem>>, vector<16xi32>,
      %parallel_loop3A_256 = tpu.vector_load_idx %arg18[%parallel_loop3A_251, %parallel_loop3A_255] : memref<26x1000xf32, #tpu.memory_space<vmem>>[vector<16xi32>, vector<16xi32>], vector<16xf32>,
      %parallel_loop3A_257 = arith.addf %parallel_loop3A_249, %parallel_loop3A_256 : vector<16xf32>
      %parallel_loop3A_258 = arith.index_cast %parallel_loop3A_41 : i32 to index
      %parallel_loop3A_259 = tpu.vector_load %arg21[%parallel_loop3A_258] {strides = array<i32>} : memref<512xf32, #tpu.memory_space<vmem>>, vector<16xf32>,
      tpu.vector_store %arg21[%parallel_loop3A_258], %parallel_loop3A_257 {strides = array<i32>} : memref<512xf32, #tpu.memory_space<vmem>>, vector<16xf32>,
    } {sc.loop_unroll_factor = 2 : i64, sc.parallel_access}
    "tpu.trace_stop"() : () -> ()
    "tpu.trace_start"() <{level = 10 : i32, message = "writeback"}> : () -> ()
    "tpu.region"() ({
      %run_scoped3A = tpu.sem_alloc : memref<!tpu.dma_semaphore, #tpu.memory_space<semaphore_mem>>
      %dma_start3A_39 = tpu.memref_slice %arg11[%mul3A_2] : memref<16384xf32, #tpu.memory_space<hbm>> -> memref<512xf32, #tpu.memory_space<hbm>>
      %dma_start3A_40 = tpu.memref_slice %arg11[%mul3A_2] : memref<16384xf32, #tpu.memory_space<hbm>> -> memref<512xf32, #tpu.memory_space<hbm>>
      tpu.enqueue_dma source(%arg21 : memref<512xf32, #tpu.memory_space<vmem>>) target(%dma_start3A_40 : memref<512xf32, #tpu.memory_space<hbm>>) target_semaphore(%run_scoped3A : memref<!tpu.dma_semaphore, #tpu.memory_space<semaphore_mem>>)
      %dma_wait3A_41 = tpu.memref_slice %arg11[%mul3A_2] : memref<16384xf32, #tpu.memory_space<hbm>> -> memref<512xf32, #tpu.memory_space<hbm>>
      %dma_wait3A_42 = tpu.memref_slice %arg11[%mul3A_2] : memref<16384xf32, #tpu.memory_space<hbm>> -> memref<512xf32, #tpu.memory_space<hbm>>
      tpu.wait_dma2 semaphore(%run_scoped3A : memref<!tpu.dma_semaphore, #tpu.memory_space<semaphore_mem>>) src(%arg21 : memref<512xf32, #tpu.memory_space<vmem>>) dst(%dma_wait3A_42 : memref<512xf32, #tpu.memory_space<hbm>>)
      tpu.yield
    }) : () -> ()
    "tpu.trace_stop"() : () -> ()
    return
  }
}

</mosaic_0001>

<sc_bundles>
// kernel: kernel.3.cloned.1.call-start
scs
__scs_entry_jumppad:
0x0: {  	(pc) =	sbr.rel $0x88, $3  }
0x1: {  	(tag) =	ssettag $0x0;
	lr =	simm.s32 $0x1  }
0x2: {  	[smem:$0x3F98] =	sst lr;
	_ =	strace $0xD0000000  }
0x3: {  	_ = 	snop  }
0x4: {  	_ = 	snop  }
0x5: {  	_ = 	snop  }
0x6: {  	_ = 	snop  }
0x7: {  	_ = 	snop  }
__scs_overlays_trampoline_lowered:
0x8: {  	[smem:$0x3FA7] =	sst s0  }
0x9: {  	[smem:$0x3FA8] =	sst s1  }
0xa: {  	[smem:$0x3FA9] =	sst s2  }
0xb: {  	[smem:$0x3FAA] =	sst s3  }
0xc: {  	[smem:$0x3FAB] =	sst s4  }
0xd: {  	[smem:$0x3FAC] =	sst s5  }
0xe: {  	[smem:$0x3FAD] =	sst s6  }
0xf: {  	[smem:$0x3FAE] =	sst s7  }
0x10: {  	[smem:$0x3FAF] =	sst s8  }
0x11: {  	[smem:$0x3FB0] =	sst s9;
	s0 =	simm.s32 @!p0 $0x0  }
0x12: {  	s1 =	sld [smem:$0x3F96];
	s0 =	simm.s32 @p0 $0x1  }
0x13: {  	[smem:$0x3FB1] =	sst s0;
	s0 =	simm.s32 @!p1 $0x0  }
0x14: {  	s2 =	sld [smem:$0x3F95];
	s0 =	simm.s32 @p1 $0x1  }
0x15: {  	[smem:$0x3FB2] =	sst s0;
	s0 =	simm.s32 @!p2 $0x0  }
0x16: {  	s3 =	sld [smem:$0x3FDB];
	s0 =	simm.s32 @p2 $0x1  }
0x17: {  	s4 =	simm.s32 $0x1BF5;
	[smem:$0x3FB4] =	sst s0  }
0x18: {  	s0 =	sld [smem:$0x3F97];
	_ =	swait.ge [sflag:s4], $0x0  }
0x19: {  	s7 =	sld [smem:$0x3F98]  }
0x1a: {  	s8 =	sadd.s32 $0xFFFFE003, lr  }
0x1b: {  	s9 =	sadd.s32 $0xFFFFFEF7, lr;
	s5 =	simm.s32 $0xFFFFFFFF;
	p2 =	slt.u32 s8, $0xFFFFF086  }
0x1c: {  	p1 =	slt.u32 s9, $0xF7A;
	s5 =	simm.s32 @!p2 $0x0  }
0x1d: {  	s5 =	simm.s32 @p1 $0x1;
	p0 =	seq.s32 s7, s2  }
0x1e: {  	s7 =	smul.u32 @!p0 $0xF7A, s2;
	p2 =	seq.s32 @!p0 s5, $0x0  }
0x1f: {  	s9 =	smul.u32 $0xF7A, s1;
	s8 =	simm.s32 @!p0 $0x1BF5;
	p2 =	por !p2, p0  }
0x20: {  	[sflag:s8] =	ssyncset.s32 @!p0 $0xFFFFF086;
	s6 =	sadd.s32 @!p0 s3, s7;
	s7 =	simm.s32 @!p0 $0x108  }
0x21: {  	s3 =	sadd.s32 s3, s9;
	s6 =	sadd.s32 @!p0 $0x88, s6;
	s7 =	simm.s32 @p2 $0x1082  }
0x22: {  	[simem:s7], [sflag:s8] =	dma.local @!p0 [hbm:s6], $0xF7A  }
0x23: {  	s9 =	sor.u32 $0xD0000000, s2;
	s6 =	simm.s32 $0x108;
	_ =	swait.ge @!p0 [sflag:s8], $0x0  }
0x24: {  	s3 =	sadd.s32 $0x88, s3;
	s6 =	simm.s32 @!p1 $0x1082;
	[sflag:s4] =	ssyncset.s32 $0xFFFFF086  }
0x25: {  	[simem:s6], [sflag:s4] =	dma.local [hbm:s3], $0xF7A  }
0x26: {  	[smem:$0x3F98] =	sst s1;
	(tag) =	ssettag s2;
	_ =	strace s9  }
0x27: {  	s1 =	sld [smem:$0x3FA8]  }
0x28: {  	s2 =	sld [smem:$0x3FA9]  }
0x29: {  	s4 =	sld [smem:$0x3FAB]  }
0x2a: {  	p0 =	seq.s32 s5, $0x0;
	s5 =	sld [smem:$0x3FAC]  }
0x2b: {  	s6 =	sld [smem:$0x3FAD]  }
0x2c: {  	s7 =	sld [smem:$0x3FAE]  }
0x2d: {  	s3 =	simm.s32 $0x108;
	s8 =	sld [smem:$0x3FAF]  }
0x2e: {  	s3 =	simm.s32 @!p0 $0x1082;
	s9 =	sld [smem:$0x3FB0]  }
0x2f: {  	lr =	sadd.s32 s0, s3;
	s0 =	sld [smem:$0x3FA7]  }
0x30: {  	s3 =	sld [smem:$0x3FAA]  }
0x31: {  	[smem:$0x3FB3] =	sst s10  }
0x32: {  	s10 =	sld [smem:$0x3FB1];
	_ =	sdelay $0x3  }
0x33: {  	p0 =	seq.s32 s10, $0x1;
	s10 =	sld [smem:$0x3FB3];
	_ =	sdelay $0x3  }
0x34: {  	[smem:$0x3FB3] =	sst s10  }
0x35: {  	s10 =	sld [smem:$0x3FB2];
	_ =	sdelay $0x3  }
0x36: {  	p1 =	seq.s32 s10, $0x1;
	s10 =	sld [smem:$0x3FB3];
	_ =	sdelay $0x3  }
0x37: {  	[smem:$0x3FB3] =	sst s10  }
0x38: {  	s10 =	sld [smem:$0x3FB4]  }
0x39: {  	_ = 	snop;
	(pc) =	sbr.ind lr, $3  }
0x3a: {  	_ = 	snop  }
0x3b: {  	_ = 	snop  }
0x3c: {  	p2 =	seq.s32 s10, $0x1;
	s10 =	sld [smem:$0x3FB3]  }
0x3d: {  	_ =	shalt  }
0x3e: {  	_ =	shalt  }
0x3f: {  	_ =	shalt  }
0x40: {  	_ =	shalt  }
0x41: {  	_ =	shalt  }
0x42: {  	_ =	shalt  }
0x43: {  	_ =	shalt  }
0x44: {  	_ =	shalt  }
0x45: {  	_ =	shalt  }
0x46: {  	_ =	shalt  }
0x47: {  	_ =	shalt  }
0x48: {  	_ =	shalt  }
0x49: {  	_ =	shalt  }
0x4a: {  	_ =	shalt  }
0x4b: {  	_ =	shalt  }
0x4c: {  	_ =	shalt  }
0x4d: {  	_ =	shalt  }
0x4e: {  	_ =	shalt  }
0x4f: {  	_ =	shalt  }
0x50: {  	_ =	shalt  }
0x51: {  	_ =	shalt  }
0x52: {  	_ =	shalt  }
0x53: {  	_ =	shalt  }
0x54: {  	_ =	shalt  }
0x55: {  	_ =	shalt  }
0x56: {  	_ =	shalt  }
0x57: {  	_ =	shalt  }
0x58: {  	_ =	shalt  }
0x59: {  	_ =	shalt  }
0x5a: {  	_ =	shalt  }
0x5b: {  	_ =	shalt  }
0x5c: {  	_ =	shalt  }
0x5d: {  	_ =	shalt  }
0x5e: {  	_ =	shalt  }
0x5f: {  	_ =	shalt  }
0x60: {  	_ =	shalt  }
0x61: {  	_ =	shalt  }
0x62: {  	_ =	shalt  }
0x63: {  	_ =	shalt  }
0x64: {  	_ =	shalt  }
0x65: {  	_ =	shalt  }
0x66: {  	_ =	shalt  }
0x67: {  	_ =	shalt  }
0x68: {  	_ =	shalt  }
0x69: {  	_ =	shalt  }
0x6a: {  	_ =	shalt  }
0x6b: {  	_ =	shalt  }
0x6c: {  	_ =	shalt  }
0x6d: {  	_ =	shalt  }
0x6e: {  	_ =	shalt  }
0x6f: {  	_ =	shalt  }
0x70: {  	_ =	shalt  }
0x71: {  	_ =	shalt  }
0x72: {  	_ =	shalt  }
0x73: {  	_ =	shalt  }
0x74: {  	_ =	shalt  }
0x75: {  	_ =	shalt  }
0x76: {  	_ =	shalt  }
0x77: {  	_ =	shalt  }
0x78: {  	_ =	shalt  }
0x79: {  	_ =	shalt  }
0x7a: {  	_ =	shalt  }
0x7b: {  	_ =	shalt  }
0x7c: {  	_ =	shalt  }
0x7d: {  	_ =	shalt  }
0x7e: {  	_ =	shalt  }
0x7f: {  	_ =	shalt  }
0x80: {  	_ =	shalt  }
0x81: {  	_ =	shalt  }
0x82: {  	_ =	shalt  }
0x83: {  	_ =	shalt  }
0x84: {  	_ =	shalt  }
0x85: {  	_ =	shalt  }
0x86: {  	_ =	shalt  }
0x87: {  	_ =	shalt  }
.Lfunc_end0:
.L_simem_size_0:
called_computation_lowered:
.L_overlay_start_0:
0x88: {  	s2 =	sld [smem:$0x3FD9]  }
0x89: {  	s3 =	sld [smem:$0x3FFE];
	_ =	sdelay $0x1  }
0x8a: {  	s1 =	srdreg.scid  }
0x8b: {  	s0 =	sand.u32 $0x1, s1  }
0x8c: {  	s17 =	sshll.u32 s0, $0xA;
	s2 =	sadd.s32 s3, s2  }
0x8d: {  	s2 =	sadd.s32 s2, s17  }
0x8e: {  	[smem:$0x3FBF] =	sst s2  }
0x8f: {  	_ = 	snop  }
0x90: {  	s2 =	sld [smem:$0x3FC9]  }
0x91: {  	s18 =	sld [smem:$0x3FC8]  }
0x92: {  	s4 =	sld [smem:$0x3FC7]  }
0x93: {  	s5 =	sld [smem:$0x3FC6]  }
0x94: {  	s6 =	sld [smem:$0x3FD0];
	(tm) =	ssettm $0x1  }
0x95: {  	s7 =	sld [smem:$0x3FFB];
	_ =	sdelay $0x3  }
0x96: {  	_ =	strace s7  }
0x97: {  	s7 =	sld [smem:$0x3FFC];
	_ =	sdelay $0x3  }
0x98: {  	_ =	strace s7  }
0x99: {  	s7 =	sld [smem:$0x3FFD];
	_ =	sdelay $0x3  }
0x9a: {  	_ =	strace s7  }
0x9b: {  	_ =	strace $0x8FFFFFFF  }
0x9c: {  	s19 =	sld [smem:$0x3FDB];
	_ =	sdelay $0x1  }
0x9d: {  	s8 =	simm.s32 $_scs_section_size  }
0x9e: {  	s9 =	simm.s32 $_size__tile_overlayer_lowered;
	s10 =	simm.s32 $_tile_overlayer_lowered  }
0x9f: {  	s22 =	simm.s32 $0x1BFF;
	s21 =	sshll.u32 s10, $0x1;
	s7 =	sadd.s32 s8, s19  }
0xa0: {  	s11 =	simm.s32 $0x0;
	s20 =	sshll.u32 s9, $0x1;
	s9 =	sadd.s32 s21, s7  }
0xa1: {  	[timem:s11], [sflag:s22] =	dma.local [hbm:s9], s20  }
0xa2: {  	_ =	swait.ge [sflag:s22], s20  }
0xa3: {  	s8 =	ssub.s32 $0x0, s20;
	[sflag:s22] =	ssyncset.done $0x0  }
0xa4: {  	[sflag:s22] =	ssyncadd.s32 s8;
	_ =	sdelay $0x1  }
0xa5: {  	s23 =	simm.s32 $0x1B8B  }
0xa6: {  	_ =	swait.ge [sflag:s23], $0x1  }
0xa7: {  	[sflag:s23] =	ssyncset.done $0x0  }
0xa8: {  	s25 =	simm.s32 $0x1B8E;
	s24 =	sld [smem:$0x3FFE];
	[sflag:s23] =	ssyncadd.s32 $0xFFFFFFFF  }
0xa9: {  	s26 =	simm.s32 $execute0_lowered;
	[smem:$0x3FD2] =	sst s25  }
0xaa: {  	s9 =	sshll.u32 s26, $0x1;
	_ =	strace $0x80000046;
	[dreg:$0x1] =	wrdreg $0xFFFFFFFF  }
0xab: {  	s28 =	simm.s32 $_size_execute0_lowered;
	s7 =	sadd.s32 s7, s9;
	[dreg:$0x0] =	wrdreg $0x0  }
0xac: {  	s9 =	sshll.u32 s28, $0x1;
	[dreg:$0x2] =	wrdreg s7  }
0xad: {  	[dreg:$0x3] =	wrdreg s9  }
0xae: {  	[dreg:$0x4] =	wrdreg $0xC0  }
0xaf: {  	_ =	task [dreg:s11], $0x5FFFF  }
0xb0: {  	[dreg:$0x1] =	wrdreg $0xFFFFFFFF  }
0xb1: {  	[dreg:$0x0] =	wrdreg $0x60  }
0xb2: {  	[dreg:$0x2] =	wrdreg s2  }
0xb3: {  	[dreg:$0x3] =	wrdreg s18  }
0xb4: {  	[dreg:$0x4] =	wrdreg s4  }
0xb5: {  	[dreg:$0x5] =	wrdreg s5  }
0xb6: {  	[dreg:$0x6] =	wrdreg s24  }
0xb7: {  	[dreg:$0x7] =	wrdreg s6  }
0xb8: {  	[dreg:$0x8] =	wrdreg $0x9  }
0xb9: {  	_ =	task.clear_ibuf [dreg:s11], $0x9FFFF;
	_ =	strace $0x90000046  }
0xba: {  	s29 =	simm.s32 $0x9;
	_ =	strace $0x8000004F  }
0xbb: {  	_ =	swait.ge [sflag:s29], $0x1  }
0xbc: {  	[sflag:s29] =	ssyncadd.s32 $0xFFFFFFFF  }
0xbd: {  	_ =	strace $0x9000004F  }
0xbe: {  	_ =	sfence  }
0xbf: {  	s30 =	sld [smem:$0x0];
	_ =	sdelay $0x2  }
0xc0: {  	s31 =	sshll.u32 s1, $0xD;
	s1 =	sshrl.u32 s1, $0x2  }
0xc1: {  	s3 =	sand.u32 $0x4000, s31;
	s1 =	sadd.s32 s1, s30  }
0xc2: {  	s0 =	sor.u32 s3, s0;
	s1 =	sshll.u32 s1, $0x11  }
0xc3: {  	s0 =	sor.u32 s1, s0  }
0xc4: {  	s0 =	sadd.s32 $0x8F2B, s0  }
0xc5: {  	[sflag:s0] =	ssyncadd.remote.s32 $0x1  }
0xc6: {  	_ =	sfence.sel $0xFFFF  }
0xc7: {  	[dreg:$0x0] =	wrdreg $0xFFFFFFFF;
	(pc) =	sbr.abs _section_cstart, $3  }
0xc8: {  	[dreg:$0x1] =	wrdreg $0xFFFFFFFF  }
0xc9: {  	_ =	task.clear_ibuf [dreg:s11], $0x2FFFF;
	_ =	strace $0x9FFFFFFF  }
0xca: {  	(tm) =	ssettm $0x7FFFFFFF  }
0xcb: {  	_ =	shalt  }
tec
execute0_lowered:
.L_overlay_start_1:
0x0: {  	(tag) =	ssettag $0x1  }
0x1: {  	s0 =	rddreg [dreg:$0x0]  }
0x2: {  	s1 =	rddreg [dreg:$0x1]  }
0x3: {  	s2 =	rddreg [dreg:$0x2]  }
0x4: {  	s3 =	rddreg [dreg:$0x3]  }
0x5: {  	s8 =	rddreg [dreg:$0x4]  }
0x6: {  	s4 =	rddreg [dreg:$0x5]  }
0x7: {  	s9 =	simm.s32 $0x0;
	s5 =	srdreg.scid;
	s21 =	stileid.u32  }
0x8: {  	s15 =	simm.s32 $0x5800;
	s11 =	simm.s32 $0x1;
	[smem:$0x7FF] =	sst s9  }
0x9: {  	s6 =	sadd.s32 $0x7600, s8;
	s5 =	sand.u32 $0x1, s5;
	s7 =	sadd.s32 $0x1200, s8  }
0xa: {  	s10 =	sadd.s32 $0x4400, s8;
	_ =	strace $0x80000047;
	[dreg:$0xb] =	wrdreg s6  }
0xb: {  	[dreg:$0xc] =	wrdreg s7;
	s6 =	sshll.u32 s21, $0xA;
	s22 =	sshll.u32 s5, $0x9  }
0xc: {  	s23 =	sadd.s32 $0x200, s8;
	[dreg:$0xd] =	wrdreg s10;
	s6 =	sor.u32 s22, s6  }
0xd: {  	s12 =	simm.s32 $0x2;
	[dreg:$0xe] =	wrdreg s23;
	s28 =	sadd.s32 s2, s6  }
0xe: {  	s25 =	sshrl.u32 s6, $0x3;
	s29 =	sadd.s32 s3, s6;
	[dreg:$0x11] =	wrdreg s28  }
0xf: {  	s5 =	ssub.s32 $0x2, s5;
	s0 =	sadd.s32 s0, s25;
	[dreg:$0x12] =	wrdreg s29  }
0x10: {  	s24 =	sshrl.u32 s5, $0x1;
	s26 =	sadd.s32 s1, s25;
	[dreg:$0xf] =	wrdreg s0  }
0x11: {  	s5 =	ssub.s32 s5, s24;
	s30 =	sadd.s32 s4, s25;
	[dreg:$0x10] =	wrdreg s26  }
0x12: {  	s8 =	simm.s32 $0xDC80;
	s31 =	smax.u32 s5, $0x1;
	[dreg:$0x13] =	wrdreg s30  }
0x13: {  	s10 =	simm.s32 $0xD800;
	s1 =	simm.s32 $0x0;
	[dreg:$0x14] =	wrdreg s31  }
.LBB2_1:
0x14: {  	[dreg:$0x15] =	wrdreg s1  }
0x15: {  	_ =	strace $0x80000048  }
0x16: {  	s0 =	rddreg [dreg:$0xf]  }
0x17: {  	[tilespmem:s9], [sflag:$0x1] =	stream.linear.gather [hbm4b:s0+s9], $0x200, $0x200038;
	[tilespmem:$0xDE80] =	vst v63  }
0x18: {  	s28 =	simm.s32 $0x200;
	s26 =	rddreg [dreg:$0x10]  }
0x19: {  	[tilespmem:s28], [sflag:$0x2] =	stream.linear.gather [hbm4b:s26+s9], $0x200, $0x200038;
	[tilespmem:$0xDE80] =	vst v63  }
0x1a: {  	s29 =	rddreg [dreg:$0xe]  }
0x1b: {  	[tilespmem:s15], [sflag:$0x4] =	stream.linear.gather [hbm4b:s29+s9], $0x8000, $0x200038;
	[tilespmem:$0xDE80] =	vst v63  }
0x1c: {  	s2 =	simm.s32 $0x1000;
	s30 =	rddreg [dreg:$0x4]  }
0x1d: {  	[tilespmem:s10], [sflag:$0x3] =	stream.linear.gather [hbm4b:s30+s9], $0x400, $0x200038;
	[tilespmem:$0xDE80] =	vst v63  }
0x1e: {  	s3 =	simm.s32 $0x20000;
	s4 =	simm.s32 $0x800;
	s31 =	rddreg [dreg:$0x11]  }
0x1f: {  	[tilespmem:s4], [sflag:$0x3] =	stream.strided.gather [hbm4b:s31+s2], $0x4000, s3, s2, $0x200038;
	[tilespmem:$0xDE80] =	vst v63  }
0x20: {  	s5 =	simm.s32 $0x4800;
	s4 =	rddreg [dreg:$0x12]  }
0x21: {  	[tilespmem:s5], [sflag:$0x3] =	stream.linear.gather [hbm4b:s4+s9], $0x1000, $0x200038;
	[tilespmem:$0xDE80] =	vst v63  }
0x22: {  	s7 =	simm.s32 $0xDC00;
	s6 =	rddreg [dreg:$0xb]  }
0x23: {  	[tilespmem:s7], [sflag:$0x3] =	stream.linear.gather [hbm4b:s6+s9], $0x80, $0x200038;
	[tilespmem:$0xDE80] =	vst v63  }
0x24: {  	_ =	swait.ge [sflag:s11], $0x200  }
0x25: {  	[sflag:s11] =	ssyncset.done $0x0  }
0x26: {  	[sflag:s11] =	ssyncadd.s32 $0xFFFFFE00  }
0x27: {  	_ =	swait.ge [sflag:s12], $0x200  }
0x28: {  	[sflag:s12] =	ssyncset.done $0x0  }
0x29: {  	s14 =	simm.s32 $0x400;
	s13 =	rddreg [dreg:$0xc];
	[sflag:s12] =	ssyncadd.s32 $0xFFFFFE00  }
0x2a: {  	[tilespmem:s14], [sflag:$0x1] =	stream.indirect.gather [hbm4b:s13+s28], $0x1, s9, s28, $0x2000b8;
	[tilespmem:$0xDE80] =	vst v63  }
0x2b: {  	s17 =	simm.s32 $0x600;
	s16 =	rddreg [dreg:$0xd]  }
0x2c: {  	[tilespmem:s17], [sflag:$0x2] =	stream.indirect.gather [hbm4b:s16+s28], $0x1, s28, s28, $0x2000b8;
	[tilespmem:$0xDE80] =	vst v63  }
0x2d: {  	_ =	strace $0x90000048  }
0x2e: {  	s18 =	simm.s32 $0x3;
	_ =	strace $0x80000049  }
0x2f: {  	_ =	swait.ge [sflag:s18], $0x4000  }
0x30: {  	[sflag:s18] =	ssyncset.done $0x0  }
0x31: {  	[sflag:s18] =	ssyncadd.s32 $0xFFFFC000  }
0x32: {  	_ =	swait.ge [sflag:s18], $0x1000  }
0x33: {  	[sflag:s18] =	ssyncset.done $0x0  }
0x34: {  	[sflag:s18] =	ssyncadd.s32 $0xFFFFF000  }
0x35: {  	_ =	swait.ge [sflag:s18], $0x80  }
0x36: {  	[sflag:s18] =	ssyncset.done $0x0  }
0x37: {  	[sflag:s18] =	ssyncadd.s32 $0xFFFFFF80  }
0x38: {  	_ =	swait.ge [sflag:s18], $0x400  }
0x39: {  	[sflag:s18] =	ssyncset.done $0x0  }
0x3a: {  	s19 =	sand.u32 $0xC00, s9;
	s20 =	sand.u32 $0x60, s9;
	[sflag:s18] =	ssyncadd.s32 $0xFFFFFC00  }
0x3b: {  	s21 =	sor.u32 $0x10, s20;
	s0 =	sadd.s32 $0x4800, s19;
	_ =	strace $0x90000049  }
0x3c: {  	s22 =	sor.u32 s21, s0;
	v0 =	vld [tilespmem:$0xDC00];
	_ =	strace $0x8000004A  }
0x3d: {  	v1 =	vld [tilespmem:s22+$0x0]  }
0x3e: {  	s0 =	sor.u32 s20, s0;
	v2 =	vld [tilespmem:s22+$0x80]  }
0x3f: {  	v3 =	vld [tilespmem:s0+$0x0]  }
0x40: {  	v4 =	vld [tilespmem:s22+$0x100]  }
0x41: {  	v5 =	vld [tilespmem:s0+$0x80]  }
0x42: {  	v6 =	vld [tilespmem:s22+$0x180]  }
0x43: {  	v7 =	vld [tilespmem:s0+$0x100]  }
0x44: {  	v8 =	vld [tilespmem:s22+$0x200]  }
0x45: {  	v9 =	vld [tilespmem:s22+$0x280]  }
0x46: {  	v12 =	vld [tilespmem:s0+$0x180]  }
0x47: {  	s23 =	simm.s32 $0x100;
	s24 =	simm.s32 $0x20;
	v13 =	vld [tilespmem:s0+$0x200]  }
0x48: {  	s1 =	sand.u32 $0xC00, s23;
	s5 =	sand.u32 $0x60, s24;
	v14 =	vld [tilespmem:s0+$0x280]  }
0x49: {  	s25 =	sadd.s32 $0x4800, s1;
	s26 =	sor.u32 $0x10, s5;
	v15 =	vld [tilespmem:s0+$0x300]  }
0x4a: {  	s1 =	sor.u32 s26, s25;
	v16 =	vld [tilespmem:s0+$0x380]  }
0x4b: {  	v17 =	vld [tilespmem:s1+$0x0]  }
0x4c: {  	v18 =	vld [tilespmem:s1+$0x80]  }
0x4d: {  	v20 =	vld [tilespmem:s1+$0x100]  }
0x4e: {  	v22 =	vld [tilespmem:s1+$0x180]  }
0x4f: {  	v24 =	vld [tilespmem:s1+$0x200]  }
0x50: {  	v25 =	vld [tilespmem:s1+$0x280]  }
0x51: {  	v26 =	vld [tilespmem:s1+$0x300]  }
0x52: {  	s0 =	sor.u32 s5, s25;
	v27 =	vld [tilespmem:s1+$0x380]  }
0x53: {  	v19 =	vld [tilespmem:s0+$0x0]  }
0x54: {  	v21 =	vld [tilespmem:s0+$0x80]  }
0x55: {  	v23 =	vld [tilespmem:s0+$0x100]  }
0x56: {  	v28 =	vld [tilespmem:s0+$0x180]  }
0x57: {  	v29 =	vld [tilespmem:s0+$0x200]  }
0x58: {  	v30 =	vld [tilespmem:s0+$0x280]  }
0x59: {  	s28 =	simm.s32 $0x200;
	s1 =	simm.s32 $0x40;
	v31 =	vld [tilespmem:s0+$0x300]  }
0x5a: {  	v32 =	vld [tilespmem:s0+$0x380];
	s0 =	sand.u32 $0xC00, s28;
	s29 =	sand.u32 $0x60, s1  }
0x5b: {  	v10 =	vld [tilespmem:s22+$0x300];
	s6 =	sadd.s32 $0x4800, s0;
	s0 =	sor.u32 $0x10, s29  }
0x5c: {  	v11 =	vld [tilespmem:s22+$0x380];
	s7 =	sor.u32 s0, s6  }
0x5d: {  	v33 =	vld [tilespmem:s7+$0x0]  }
0x5e: {  	s5 =	sor.u32 s29, s6;
	v34 =	vld [tilespmem:s7+$0x80]  }
0x5f: {  	v35 =	vld [tilespmem:s5+$0x0]  }
0x60: {  	v36 =	vld [tilespmem:s7+$0x100]  }
0x61: {  	v37 =	vld [tilespmem:s7+$0x180]  }
0x62: {  	v38 =	vld [tilespmem:s7+$0x200]  }
0x63: {  	v57 =	vld [tilespmem:s7+$0x280]  }
0x64: {  	v58 =	vld [tilespmem:s7+$0x300];
	v2 =	vadd.s32 $0x80, v2  }
0x65: {  	v4 =	vadd.s32 $0x100, v4;
	v1 =	vld.idx.msk [tilespmem:v1+s10+$0x0], $0xffff  }
0x66: {  	v6 =	vadd.s32 $0x180, v6;
	v3 =	vld.idx.msk [tilespmem:v3+s10+$0x0], $0xffff  }
0x67: {  	v8 =	vadd.s32 $0x200, v8;
	v17 =	vld.idx.msk [tilespmem:v17+s10+$0x0], $0xffff  }
0x68: {  	v5 =	vadd.s32 $0x80, v5;
	v19 =	vld.idx.msk [tilespmem:v19+s10+$0x0], $0xffff  }
0x69: {  	v9 =	vadd.s32 $0x280, v9;
	v2 =	vld.idx.msk [tilespmem:v2+s10+$0x0], $0xffff  }
0x6a: {  	v10 =	vadd.s32 $0x300, v10;
	v4 =	vld.idx.msk [tilespmem:v4+s10+$0x0], $0xffff  }
0x6b: {  	v7 =	vadd.s32 $0x100, v7;
	v6 =	vld.idx.msk [tilespmem:v6+s10+$0x0], $0xffff  }
0x6c: {  	v11 =	vadd.s32 $0x380, v11;
	v8 =	vld.idx.msk [tilespmem:v8+s10+$0x0], $0xffff  }
0x6d: {  	v12 =	vadd.s32 $0x180, v12;
	v5 =	vld.idx.msk [tilespmem:v5+s10+$0x0], $0xffff  }
0x6e: {  	v13 =	vadd.s32 $0x200, v13;
	v9 =	vld.idx.msk [tilespmem:v9+s10+$0x0], $0xffff  }
0x6f: {  	v18 =	vadd.s32 $0x80, v18;
	v10 =	vld.idx.msk [tilespmem:v10+s10+$0x0], $0xffff  }
0x70: {  	v20 =	vadd.s32 $0x100, v20;
	v7 =	vld.idx.msk [tilespmem:v7+s10+$0x0], $0xffff  }
0x71: {  	v22 =	vadd.s32 $0x180, v22;
	v11 =	vld.idx.msk [tilespmem:v11+s10+$0x0], $0xffff  }
0x72: {  	v24 =	vadd.s32 $0x200, v24;
	v12 =	vld.idx.msk [tilespmem:v12+s10+$0x0], $0xffff  }
0x73: {  	v25 =	vadd.s32 $0x280, v25;
	v13 =	vld.idx.msk [tilespmem:v13+s10+$0x0], $0xffff  }
0x74: {  	v26 =	vadd.s32 $0x300, v26;
	v18 =	vld.idx.msk [tilespmem:v18+s10+$0x0], $0xffff  }
0x75: {  	v27 =	vadd.s32 $0x380, v27;
	v20 =	vld.idx.msk [tilespmem:v20+s10+$0x0], $0xffff  }
0x76: {  	v14 =	vadd.s32 $0x280, v14;
	v22 =	vld.idx.msk [tilespmem:v22+s10+$0x0], $0xffff  }
0x77: {  	v15 =	vadd.s32 $0x300, v15;
	v24 =	vld.idx.msk [tilespmem:v24+s10+$0x0], $0xffff  }
0x78: {  	v16 =	vadd.s32 $0x380, v16;
	v25 =	vld.idx.msk [tilespmem:v25+s10+$0x0], $0xffff  }
0x79: {  	v21 =	vadd.s32 $0x80, v21;
	v26 =	vld.idx.msk [tilespmem:v26+s10+$0x0], $0xffff  }
0x7a: {  	v23 =	vadd.s32 $0x100, v23;
	v27 =	vld.idx.msk [tilespmem:v27+s10+$0x0], $0xffff  }
0x7b: {  	v28 =	vadd.s32 $0x180, v28;
	v14 =	vld.idx.msk [tilespmem:v14+s10+$0x0], $0xffff  }
0x7c: {  	v29 =	vadd.s32 $0x200, v29;
	v15 =	vld.idx.msk [tilespmem:v15+s10+$0x0], $0xffff  }
0x7d: {  	v16 =	vld.idx.msk [tilespmem:v16+s10+$0x0], $0xffff;
	v1 =	vadd.f32 v1, v0  }
0x7e: {  	v21 =	vld.idx.msk [tilespmem:v21+s10+$0x0], $0xffff  }
0x7f: {  	v34 =	vadd.s32 $0x80, v34;
	v23 =	vld.idx.msk [tilespmem:v23+s10+$0x0], $0xffff;
	v1 =	vadd.f32 v2, v1  }
0x80: {  	v28 =	vld.idx.msk [tilespmem:v28+s10+$0x0], $0xffff  }
0x81: {  	v29 =	vld.idx.msk [tilespmem:v29+s10+$0x0], $0xffff;
	v17 =	vadd.f32 v17, v0;
	v1 =	vadd.f32 v4, v1  }
0x82: {  	v3 =	vadd.f32 v3, v0;
	v2 =	vld [tilespmem:s5+$0x80]  }
0x83: {  	v33 =	vld.idx.msk [tilespmem:v33+s10+$0x0], $0xffff;
	v17 =	vadd.f32 v18, v17;
	v1 =	vadd.f32 v6, v1;
	v6 =	vadd.s32 $0x100, v36  }
0x84: {  	v59 =	vld.idx.msk [tilespmem:v34+s10+$0x0], $0xffff;
	v3 =	vadd.f32 v5, v3;
	v5 =	vadd.s32 $0x200, v38  }
0x85: {  	v4 =	vld [tilespmem:s5+$0x100];
	v17 =	vadd.f32 v20, v17;
	v1 =	vadd.f32 v8, v1;
	v8 =	vadd.s32 $0x180, v37  }
0x86: {  	v3 =	vadd.f32 v7, v3;
	v7 =	vld.idx.msk [tilespmem:v35+s10+$0x0], $0xffff  }
0x87: {  	v17 =	vadd.f32 v22, v17;
	v2 =	vadd.s32 $0x80, v2;
	v1 =	vadd.f32 v9, v1;
	v9 =	vld [tilespmem:s7+$0x380]  }
0x88: {  	v60 =	vadd.f32 v33, v0;
	v3 =	vadd.f32 v12, v3;
	v6 =	vld.idx.msk [tilespmem:v6+s10+$0x0], $0xffff  }
0x89: {  	v5 =	vld.idx.msk [tilespmem:v5+s10+$0x0], $0xffff;
	v17 =	vadd.f32 v24, v17;
	v1 =	vadd.f32 v10, v1;
	v10 =	vadd.s32 $0x280, v57  }
0x8a: {  	v12 =	vadd.s32 $0x300, v58;
	v3 =	vadd.f32 v13, v3;
	v13 =	vadd.f32 v19, v0;
	v8 =	vld.idx.msk [tilespmem:v8+s10+$0x0], $0xffff  }
0x8b: {  	v18 =	vadd.f32 v59, v60;
	v4 =	vadd.s32 $0x100, v4;
	v1 =	vadd.f32 v11, v1;
	v11 =	vld [tilespmem:s5+$0x180]  }
0x8c: {  	v13 =	vadd.f32 v21, v13;
	v61 =	vld.idx.msk [tilespmem:v2+s10+$0x0], $0xffff;
	v2 =	vadd.s32 $0x380, v9;
	v9 =	vadd.f32 v25, v17  }
0x8d: {  	v3 =	vadd.f32 v14, v3;
	v14 =	vld [tilespmem:s5+$0x200];
	v6 =	vadd.f32 v6, v18  }
0x8e: {  	v10 =	vld.idx.msk [tilespmem:v10+s10+$0x0], $0xffff;
	v9 =	vadd.f32 v26, v9  }
0x8f: {  	s30 =	sand.u32 $0x180, s9;
	v62 =	vld.idx.msk [tilespmem:v12+s10+$0x0], $0xffff;
	v12 =	vadd.f32 v23, v13;
	v8 =	vadd.f32 v8, v6  }
0x90: {  	s2 =	sor.u32 s21, s30;
	s3 =	sand.u32 $0x180, s24;
	v3 =	vadd.f32 v15, v3;
	v6 =	vld.idx.msk [tilespmem:v4+s10+$0x0], $0xffff;
	v11 =	vadd.s32 $0x180, v11;
	v4 =	vadd.f32 v27, v9  }
0x91: {  	s31 =	sor.u32 s26, s3;
	v12 =	vadd.f32 v28, v12;
	[tilespmem:s2+$0xDC80] =	vst v1;
	v1 =	vadd.s32 $0x280, v30;
	v9 =	vadd.f32 v5, v8;
	v5 =	vld.idx.msk [tilespmem:v2+s10+$0x0], $0xffff  }
0x92: {  	v15 =	vadd.f32 v7, v0;
	v13 =	vadd.f32 v16, v3;
	v8 =	vld [tilespmem:s5+$0x280];
	[tilespmem:s31+$0xDC80] =	vst v4;
	v4 =	vadd.s32 $0x300, v31  }
0x93: {  	v3 =	vadd.f32 v29, v12;
	v12 =	vadd.s32 $0x200, v14;
	v63 =	vadd.f32 v10, v9;
	v10 =	vld [tilespmem:s5+$0x300]  }
0x94: {  	s4 =	simm.s32 $0x300;
	[tilespmem:s8+$0x0] =	vst v13;
	v13 =	vadd.f32 v61, v15;
	v2 =	vadd.s32 $0x380, v32;
	v9 =	vld [tilespmem:s5+$0x380]  }
0x95: {  	s3 =	simm.s32 $0x4;
	s2 =	simm.s32 $0xDC80;
	s5 =	simm.s32 $0x40;
	v7 =	vld.idx.msk [tilespmem:v11+s10+$0x0], $0xffff;
	v11 =	vadd.f32 v62, v63  }
.LBB2_2:
0x96: {  	s6 =	sand.u32 $0xC00, s4;
	v6 =	vadd.f32 v6, v13;
	s1 =	sadd.s32 $0x20, s1;
	v13 =	vld.idx.msk [tilespmem:v1+s10+$0x0], $0xffff  }
0x97: {  	s5 =	sand.u32 $0x180, s5;
	s7 =	sand.u32 $0x60, s1;
	s8 =	sadd.s32 $0x4800, s6;
	v1 =	vadd.s32 $0x280, v8;
	v5 =	vadd.f32 v5, v11;
	v8 =	vld.idx.msk [tilespmem:v4+s10+$0x0], $0xffff  }
0x98: {  	s3 =	sadd.s32 $0x2, s3;
	s5 =	sor.u32 s0, s5;
	v11 =	vld.idx.msk [tilespmem:v12+s10+$0x0], $0xffff;
	v4 =	vadd.s32 $0x300, v10;
	s0 =	sor.u32 $0x10, s7  }
0x99: {  	p0 =	slt.u32 s3, $0x1E;
	s6 =	sor.u32 s7, s8;
	s7 =	sor.u32 s0, s8;
	[tilespmem:s5+$0xDC80] =	vst v5;
	v5 =	vld.idx.msk [tilespmem:v2+s10+$0x0], $0xffff  }
0x9a: {  	v6 =	vadd.f32 v7, v6;
	s5 =	smov.u32 s1;
	v10 =	vld [tilespmem:s7+$0x0];
	v2 =	vadd.s32 $0x380, v9  }
0x9b: {  	v7 =	vld [tilespmem:s7+$0x80]  }
0x9c: {  	v12 =	vadd.f32 v13, v3;
	v9 =	vld [tilespmem:s6+$0x0]  }
0x9d: {  	v13 =	vld [tilespmem:s7+$0x100]  }
0x9e: {  	v3 =	vadd.f32 v11, v6;
	v6 =	vadd.f32 v8, v12;
	v14 =	vld [tilespmem:s6+$0x80]  }
0x9f: {  	v8 =	vld [tilespmem:s7+$0x180]  }
0xa0: {  	v5 =	vadd.f32 v5, v6;
	v11 =	vld [tilespmem:s6+$0x100];
	v7 =	vadd.s32 $0x80, v7  }
0xa1: {  	s2 =	sadd.s32 $0x20, s2;
	v6 =	vld [tilespmem:s7+$0x200]  }
0xa2: {  	v12 =	vadd.s32 $0x100, v13;
	v13 =	vld [tilespmem:s7+$0x280];
	[tilespmem:s2+$0x0] =	vst v5  }
0xa3: {  	v5 =	vadd.s32 $0x80, v14;
	v10 =	vld.idx.msk [tilespmem:v10+s10+$0x0], $0xffff  }
0xa4: {  	v8 =	vadd.s32 $0x180, v8;
	v14 =	vld [tilespmem:s7+$0x300]  }
0xa5: {  	v11 =	vadd.s32 $0x100, v11;
	v7 =	vld.idx.msk [tilespmem:v7+s10+$0x0], $0xffff  }
0xa6: {  	v6 =	vadd.s32 $0x200, v6;
	v15 =	vld [tilespmem:s7+$0x380]  }
0xa7: {  	v12 =	vld.idx.msk [tilespmem:v12+s10+$0x0], $0xffff  }
0xa8: {  	v13 =	vadd.s32 $0x280, v13;
	v9 =	vld.idx.msk [tilespmem:v9+s10+$0x0], $0xffff  }
0xa9: {  	v10 =	vadd.f32 v10, v0;
	v8 =	vld.idx.msk [tilespmem:v8+s10+$0x0], $0xffff  }
0xaa: {  	v14 =	vadd.s32 $0x300, v14;
	v16 =	vld [tilespmem:s6+$0x180]  }
0xab: {  	v7 =	vadd.f32 v7, v10;
	v10 =	vld.idx.msk [tilespmem:v6+s10+$0x0], $0xffff  }
0xac: {  	v17 =	vld.idx.msk [tilespmem:v5+s10+$0x0], $0xffff;
	v5 =	vadd.s32 $0x380, v15  }
0xad: {  	v6 =	vadd.f32 v12, v7;
	v7 =	vld.idx.msk [tilespmem:v13+s10+$0x0], $0xffff  }
0xae: {  	v9 =	vadd.f32 v9, v0;
	v12 =	vld [tilespmem:s6+$0x200]  }
0xaf: {  	v8 =	vadd.f32 v8, v6;
	v15 =	vadd.s32 $0x180, v16;
	v14 =	vld.idx.msk [tilespmem:v14+s10+$0x0], $0xffff  }
0xb0: {  	v6 =	vld.idx.msk [tilespmem:v11+s10+$0x0], $0xffff  }
.Ltmp0:
0xb1: {  	v11 =	vadd.f32 v10, v8;
	v5 =	vld.idx.msk [tilespmem:v5+s10+$0x0], $0xffff;
	(pc) =	sbr.rel @p0 .LBB2_2-.Ltmp0, $4  }
0xb2: {  	v13 =	vadd.f32 v17, v9;
	v8 =	vld [tilespmem:s6+$0x280]  }
0xb3: {  	v11 =	vadd.f32 v7, v11;
	v12 =	vadd.s32 $0x200, v12;
	v10 =	vld [tilespmem:s6+$0x300]  }
0xb4: {  	v7 =	vld.idx.msk [tilespmem:v15+s10+$0x0], $0xffff  }
0xb5: {  	s4 =	sadd.s32 $0x100, s4;
	v11 =	vadd.f32 v14, v11;
	v9 =	vld [tilespmem:s6+$0x380]  }
0xb6: {  	_ = 	snop  }
0xb7: {  	v0 =	vadd.s32 $0x280, v8;
	_ =	sdelay $0x1  }
0xb8: {  	v8 =	vadd.s32 $0x300, v10  }
0xb9: {  	v10 =	vld.idx.msk [tilespmem:v12+s10+$0x0], $0xffff  }
0xba: {  	v6 =	vadd.f32 v6, v13;
	v1 =	vld.idx.msk [tilespmem:v1+s10+$0x0], $0xffff;
	v9 =	vadd.s32 $0x380, v9  }
0xbb: {  	v0 =	vld.idx.msk [tilespmem:v0+s10+$0x0], $0xffff  }
0xbc: {  	v4 =	vld.idx.msk [tilespmem:v4+s10+$0x0], $0xffff;
	v6 =	vadd.f32 v7, v6  }
0xbd: {  	v7 =	vld.idx.msk [tilespmem:v8+s10+$0x0], $0xffff  }
0xbe: {  	v2 =	vld.idx.msk [tilespmem:v2+s10+$0x0], $0xffff;
	v6 =	vadd.f32 v10, v6  }
0xbf: {  	v1 =	vadd.f32 v1, v3;
	v3 =	vld.idx.msk [tilespmem:v9+s10+$0x0], $0xffff  }
0xc0: {  	v0 =	vadd.f32 v0, v6  }
0xc1: {  	v1 =	vadd.f32 v4, v1  }
0xc2: {  	s1 =	sand.u32 $0x180, s5;
	v4 =	vadd.f32 v5, v11;
	v0 =	vadd.f32 v7, v0  }
0xc3: {  	s0 =	sor.u32 s0, s1;
	v1 =	vadd.f32 v2, v1  }
0xc4: {  	s23 =	sadd.s32 $0x20, s2;
	[tilespmem:s0+$0xDC80] =	vst v4;
	v0 =	vadd.f32 v3, v0  }
0xc5: {  	s0 =	sadd.s32 $0x20, s23;
	[tilespmem:s23+$0x0] =	vst v1  }
0xc6: {  	[tilespmem:s0+$0x0] =	vst v0  }
0xc7: {  	_ =	strace $0x9000004A  }
0xc8: {  	_ =	strace $0x8000004B  }
0xc9: {  	_ =	swait.ge [sflag:s11], $0x200  }
0xca: {  	[sflag:s11] =	ssyncset.done $0x0  }
0xcb: {  	[sflag:s11] =	ssyncadd.s32 $0xFFFFFE00  }
0xcc: {  	_ =	swait.ge [sflag:s12], $0x200  }
0xcd: {  	[sflag:s12] =	ssyncset.done $0x0  }
0xce: {  	[sflag:s12] =	ssyncadd.s32 $0xFFFFFE00  }
0xcf: {  	_ =	strace $0x9000004B  }
0xd0: {  	s24 =	simm.s32 $0x4;
	_ =	strace $0x8000004C  }
0xd1: {  	_ =	swait.ge [sflag:s24], $0x8000  }
0xd2: {  	[sflag:s24] =	ssyncset.done $0x0  }
0xd3: {  	[sflag:s24] =	ssyncadd.s32 $0xFFFF8000  }
0xd4: {  	s25 =	simm.s32 $0x600;
	s4 =	simm.s32 $0xDC80;
	_ =	strace $0x9000004C  }
0xd5: {  	s28 =	simm.s32 $0xDC80;
	s1 =	simm.s32 $0x0;
	_ =	strace $0x8000004D  }
0xd6: {  	s3 =	sand.u32 $0x60, s1;
	s24 =	sand.u32 $0xC00, s1;
	v0 =	vld [tilespmem:s25+$0x0];
	[dreg:$0x7] =	wrdreg s28  }
0xd7: {  	s26 =	simm.s32 $0x400;
	s13 =	sor.u32 $0x10, s3;
	s29 =	sadd.s32 $0x800, s24;
	v3 =	vld [tilespmem:s4+$0x0]  }
0xd8: {  	s30 =	sor.u32 s13, s29;
	v4 =	vld [tilespmem:s26+$0x0]  }
0xd9: {  	v5 =	vld [tilespmem:s30+$0x0]  }
0xda: {  	s31 =	sor.u32 s3, s29;
	v6 =	vld [tilespmem:s30+$0x80]  }
0xdb: {  	v2 =	vld [tilespmem:s31+$0x0]  }
0xdc: {  	s9 =	sand.u32 $0x180, s1;
	s10 =	sand.u32 $0x3, s1;
	v7 =	vld [tilespmem:s30+$0x100]  }
0xdd: {  	s21 =	sor.u32 s9, s13;
	s2 =	sshll.u32 s10, $0x5;
	v1 =	vld [tilespmem:s31+$0x80]  }
0xde: {  	s2 =	sadd.s32 $0x0, s2;
	v10 =	vld [tilespmem:s21+$0xDC80]  }
0xdf: {  	s11 =	sadd.s32 $0x10, s2;
	v12 =	vld [tilespmem:s21+$0x400]  }
0xe0: {  	s12 =	sor.u32 $0x300, s11;
	s5 =	sadd.s32 $0x1980, s24;
	v9 =	vld [tilespmem:s30+$0x180]  }
0xe1: {  	s17 =	sor.u32 s13, s5;
	s5 =	sor.u32 s3, s5;
	v14 =	vld [tilespmem:s12+$0x800];
	v8 =	vshll.u32 v5, $0x3;
	v5 =	vand.u32 $0x7F, v5  }
0xe2: {  	v34 =	vld [tilespmem:s5+$0x0];
	v11 =	vshll.u32 v6, $0x3;
	v6 =	vand.u32 $0x7F, v6;
	v8 =	vand.u32 $0xFFFFFC00, v8  }
0xe3: {  	v3 =	vadd.f32 v4, v3;
	v5 =	vor.u32 v5, v8;
	v8 =	vand.u32 $0xFFFFFC00, v11;
	v11 =	vld [tilespmem:s30+$0x200]  }
0xe4: {  	s4 =	sor.u32 $0x380, s11;
	v29 =	vld [tilespmem:s31+$0x280];
	v10 =	vadd.f32 v12, v10;
	v4 =	vor.u32 v8, v6;
	v6 =	vshll.u32 v7, $0x3  }
0xe5: {  	v15 =	vld [tilespmem:s4+$0x800];
	v8 =	vor.u32 $0x80, v4;
	v4 =	vand.u32 $0x7F, v7;
	v6 =	vand.u32 $0xFFFFFC00, v6  }
0xe6: {  	s6 =	sadd.s32 $0x1800, s24;
	v0 =	vadd.f32 v0, v3;
	v7 =	vld [tilespmem:s30+$0x280];
	v4 =	vor.u32 v6, v4;
	v6 =	vshll.u32 v9, $0x3  }
0xe7: {  	s14 =	sor.u32 s13, s6;
	v3 =	vld [tilespmem:s21+$0x600];
	v9 =	vand.u32 $0x7F, v9;
	v13 =	vor.u32 $0x100, v4;
	v6 =	vand.u32 $0xFFFFFC00, v6  }
0xe8: {  	s4 =	sadd.s32 $0x1880, s24;
	v12 =	vld [tilespmem:s14+$0x0];
	v40 =	vshll.u32 v34, $0x3;
	v6 =	vor.u32 v6, v9;
	v9 =	vshll.u32 v11, $0x3  }
0xe9: {  	s30 =	sor.u32 $0x300, s2;
	s2 =	sor.u32 s3, s4;
	v5 =	vld.idx.msk [tilespmem:v5+s15+$0x0], $0xffff;
	v11 =	vand.u32 $0x7F, v11;
	v6 =	vor.u32 $0x180, v6;
	v9 =	vand.u32 $0xFFFFFC00, v9  }
0xea: {  	v32 =	vshll.u32 v29, $0x3;
	v41 =	vand.u32 $0xFFFFFC00, v40;
	v33 =	vld [tilespmem:s2+$0x0];
	v9 =	vor.u32 v9, v11  }
0xeb: {  	v4 =	vshll.u32 v2, $0x3;
	v8 =	vld.idx.msk [tilespmem:v8+s15+$0x0], $0xffff;
	v11 =	vshll.u32 v7, $0x3;
	v9 =	vor.u32 $0x200, v9  }
0xec: {  	s16 =	sor.u32 s13, s4;
	v3 =	vadd.f32 v3, v10;
	v7 =	vand.u32 $0x7F, v7;
	v11 =	vand.u32 $0xFFFFFC00, v11;
	v10 =	vld.idx.msk [tilespmem:v13+s15+$0x0], $0xffff  }
0xed: {  	s8 =	sadd.s32 $0x1900, s24;
	v7 =	vor.u32 v11, v7;
	v11 =	vshll.u32 v14, $0x3;
	v13 =	vand.u32 $0x7F, v14;
	v14 =	vld [tilespmem:s16+$0x0]  }
0xee: {  	s7 =	sor.u32 s13, s8;
	v7 =	vor.u32 $0x280, v7;
	v11 =	vand.u32 $0xFFFFFC00, v11;
	v3 =	vadd.f32 v5, v3;
	v5 =	vld.idx.msk [tilespmem:v6+s15+$0x0], $0xffff  }
0xef: {  	v6 =	vor.u32 v11, v13;
	v11 =	vshll.u32 v15, $0x3;
	v13 =	vand.u32 $0x7F, v15;
	v15 =	vld [tilespmem:s7+$0x0]  }
0xf0: {  	s7 =	sadd.s32 $0x1A80, s24;
	v6 =	vor.u32 $0x300, v6;
	v11 =	vand.u32 $0xFFFFFC00, v11;
	v3 =	vadd.f32 v8, v3;
	v8 =	vld.idx.msk [tilespmem:v9+s15+$0x0], $0xffff  }
0xf1: {  	s4 =	sor.u32 s3, s8;
	v2 =	vand.u32 $0x7F, v2;
	s8 =	sor.u32 s3, s7;
	v9 =	vor.u32 v11, v13;
	v11 =	vshll.u32 v12, $0x3;
	v13 =	vld [tilespmem:s17+$0x0]  }
0xf2: {  	s9 =	sadd.s32 $0x1A00, s24;
	v12 =	vand.u32 $0x7F, v12;
	v39 =	vld [tilespmem:s8+$0x0];
	v9 =	vor.u32 $0x380, v9;
	v11 =	vand.u32 $0xFFFFFC00, v11  }
0xf3: {  	s18 =	sor.u32 s13, s9;
	v3 =	vadd.f32 v10, v3;
	v7 =	vld.idx.msk [tilespmem:v7+s15+$0x0], $0xffff;
	v10 =	vor.u32 v12, v11;
	v11 =	vshll.u32 v14, $0x3  }
0xf4: {  	v12 =	vand.u32 $0x7F, v14;
	v14 =	vld [tilespmem:s18+$0x0];
	v10 =	vadd.s32 $0x2000, v10;
	v11 =	vand.u32 $0xFFFFFC00, v11  }
0xf5: {  	s19 =	sor.u32 s13, s7;
	v3 =	vadd.f32 v5, v3;
	v5 =	vld.idx.msk [tilespmem:v6+s15+$0x0], $0xffff;
	v6 =	vor.u32 v12, v11;
	v11 =	vshll.u32 v15, $0x3  }
0xf6: {  	s10 =	sadd.s32 $0x1B00, s24;
	v12 =	vand.u32 $0x7F, v15;
	v15 =	vld [tilespmem:s19+$0x0];
	v6 =	vadd.s32 $0x2080, v6;
	v11 =	vand.u32 $0xFFFFFC00, v11  }
0xf7: {  	s20 =	sor.u32 s13, s10;
	v3 =	vadd.f32 v8, v3;
	v8 =	vld.idx.msk [tilespmem:v9+s15+$0x0], $0xffff;
	v9 =	vor.u32 v12, v11;
	v11 =	vshll.u32 v13, $0x3  }
0xf8: {  	s11 =	sadd.s32 $0x1B80, s24;
	v12 =	vand.u32 $0x7F, v13;
	v13 =	vld [tilespmem:s20+$0x0];
	v9 =	vadd.s32 $0x2100, v9;
	v11 =	vand.u32 $0xFFFFFC00, v11  }
0xf9: {  	s14 =	sor.u32 s13, s11;
	v3 =	vadd.f32 v7, v3;
	v7 =	vld.idx.msk [tilespmem:v10+s15+$0x0], $0xffff;
	v10 =	vor.u32 v12, v11;
	v11 =	vshll.u32 v14, $0x3  }
0xfa: {  	s12 =	sadd.s32 $0x2800, s24;
	v12 =	vand.u32 $0x7F, v14;
	v14 =	vld [tilespmem:s14+$0x0];
	v10 =	vadd.s32 $0x2180, v10;
	v11 =	vand.u32 $0xFFFFFC00, v11  }
0xfb: {  	s16 =	sor.u32 s13, s12;
	v3 =	vadd.f32 v5, v3;
	v5 =	vld.idx.msk [tilespmem:v6+s15+$0x0], $0xffff;
	v6 =	vor.u32 v12, v11;
	v11 =	vshll.u32 v15, $0x3  }
0xfc: {  	s14 =	sadd.s32 $0x2880, s24;
	v12 =	vand.u32 $0x7F, v15;
	v15 =	vld [tilespmem:s16+$0x0];
	v6 =	vadd.s32 $0x2200, v6;
	v11 =	vand.u32 $0xFFFFFC00, v11  }
0xfd: {  	s22 =	sor.u32 s13, s14;
	v3 =	vadd.f32 v8, v3;
	v8 =	vld.idx.msk [tilespmem:v9+s15+$0x0], $0xffff;
	v9 =	vor.u32 v12, v11;
	v11 =	vshll.u32 v13, $0x3  }
0xfe: {  	s17 =	sadd.s32 $0x2900, s24;
	v12 =	vand.u32 $0x7F, v13;
	v13 =	vld [tilespmem:s22+$0x0];
	v9 =	vadd.s32 $0x2280, v9;
	v11 =	vand.u32 $0xFFFFFC00, v11  }
0xff: {  	s23 =	sor.u32 s13, s17;
	v3 =	vadd.f32 v7, v3;
	v7 =	vld.idx.msk [tilespmem:v10+s15+$0x0], $0xffff;
	v10 =	vor.u32 v12, v11;
	v11 =	vshll.u32 v14, $0x3  }
0x100: {  	s19 =	sadd.s32 $0x2980, s24;
	v12 =	vand.u32 $0x7F, v14;
	v14 =	vld [tilespmem:s23+$0x0];
	v10 =	vadd.s32 $0x2300, v10;
	v11 =	vand.u32 $0xFFFFFC00, v11  }
0x101: {  	s25 =	sor.u32 s13, s19;
	v3 =	vadd.f32 v5, v3;
	v5 =	vld.idx.msk [tilespmem:v6+s15+$0x0], $0xffff;
	v6 =	vor.u32 v12, v11;
	v11 =	vshll.u32 v15, $0x3  }
0x102: {  	s22 =	sadd.s32 $0x2A00, s24;
	v12 =	vand.u32 $0x7F, v15;
	v15 =	vld [tilespmem:s25+$0x0];
	v6 =	vadd.s32 $0x2380, v6;
	v11 =	vand.u32 $0xFFFFFC00, v11  }
0x103: {  	s18 =	sor.u32 s13, s22;
	v3 =	vadd.f32 v8, v3;
	v8 =	vld.idx.msk [tilespmem:v9+s15+$0x0], $0xffff;
	v9 =	vor.u32 v12, v11;
	v11 =	vshll.u32 v13, $0x3  }
0x104: {  	s16 =	sadd.s32 $0x2A80, s24;
	v12 =	vand.u32 $0x7F, v13;
	v13 =	vld [tilespmem:s18+$0x0];
	v9 =	vadd.s32 $0x4000, v9;
	v11 =	vand.u32 $0xFFFFFC00, v11  }
0x105: {  	s20 =	sor.u32 s13, s16;
	v3 =	vadd.f32 v7, v3;
	v7 =	vld.idx.msk [tilespmem:v10+s15+$0x0], $0xffff;
	v10 =	vor.u32 v12, v11;
	v11 =	vshll.u32 v14, $0x3  }
0x106: {  	s18 =	sadd.s32 $0x2B00, s24;
	v12 =	vand.u32 $0x7F, v14;
	v14 =	vld [tilespmem:s20+$0x0];
	v10 =	vadd.s32 $0x4080, v10;
	v11 =	vand.u32 $0xFFFFFC00, v11  }
0x107: {  	s23 =	sor.u32 s13, s18;
	v3 =	vadd.f32 v5, v3;
	v5 =	vld.idx.msk [tilespmem:v6+s15+$0x0], $0xffff;
	v6 =	vor.u32 v12, v11;
	v11 =	vshll.u32 v15, $0x3  }
0x108: {  	s26 =	sadd.s32 $0x2B80, s24;
	v12 =	vand.u32 $0x7F, v15;
	v15 =	vld [tilespmem:s23+$0x0];
	v6 =	vadd.s32 $0x4100, v6;
	v11 =	vand.u32 $0xFFFFFC00, v11  }
0x109: {  	s25 =	sor.u32 s13, s26;
	v3 =	vadd.f32 v8, v3;
	v8 =	vld.idx.msk [tilespmem:v9+s15+$0x0], $0xffff;
	v9 =	vor.u32 v12, v11;
	v11 =	vshll.u32 v13, $0x3  }
0x10a: {  	s28 =	sadd.s32 $0x3800, s24;
	v12 =	vand.u32 $0x7F, v13;
	v13 =	vld [tilespmem:s25+$0x0];
	v9 =	vadd.s32 $0x4180, v9;
	v11 =	vand.u32 $0xFFFFFC00, v11  }
0x10b: {  	s29 =	sor.u32 s13, s28;
	v3 =	vadd.f32 v7, v3;
	v7 =	vld.idx.msk [tilespmem:v10+s15+$0x0], $0xffff;
	v10 =	vor.u32 v12, v11;
	v11 =	vshll.u32 v14, $0x3  }
0x10c: {  	s24 =	sadd.s32 $0x3880, s24;
	v12 =	vand.u32 $0x7F, v14;
	v14 =	vld [tilespmem:s29+$0x0];
	v10 =	vadd.s32 $0x4200, v10;
	v11 =	vand.u32 $0xFFFFFC00, v11  }
0x10d: {  	s13 =	sor.u32 s13, s24;
	v3 =	vadd.f32 v5, v3;
	v5 =	vld.idx.msk [tilespmem:v6+s15+$0x0], $0xffff;
	v6 =	vor.u32 v12, v11;
	v11 =	vshll.u32 v15, $0x3  }
0x10e: {  	v12 =	vand.u32 $0x7F, v15;
	v15 =	vld [tilespmem:s13+$0x0];
	v6 =	vadd.s32 $0x4280, v6;
	v11 =	vand.u32 $0xFFFFFC00, v11  }
0x10f: {  	v3 =	vadd.f32 v8, v3;
	v8 =	vld.idx.msk [tilespmem:v9+s15+$0x0], $0xffff;
	v9 =	vor.u32 v12, v11;
	v11 =	vshll.u32 v13, $0x3  }
0x110: {  	v12 =	vld [tilespmem:s31+$0x100];
	v13 =	vand.u32 $0x7F, v13;
	v9 =	vadd.s32 $0x4300, v9;
	v11 =	vand.u32 $0xFFFFFC00, v11  }
0x111: {  	v7 =	vadd.f32 v7, v3;
	v3 =	vld.idx.msk [tilespmem:v10+s15+$0x0], $0xffff;
	v10 =	vor.u32 v13, v11;
	v11 =	vshll.u32 v14, $0x3  }
0x112: {  	v13 =	vld [tilespmem:s31+$0x180];
	v14 =	vand.u32 $0x7F, v14;
	v10 =	vadd.s32 $0x4380, v10;
	v11 =	vand.u32 $0xFFFFFC00, v11  }
0x113: {  	v16 =	vand.u32 $0xFFFFFC00, v4;
	v35 =	vshll.u32 v33, $0x3;
	v4 =	vld.idx.msk [tilespmem:v6+s15+$0x0], $0xffff;
	v6 =	vor.u32 v14, v11  }
0x114: {  	v36 =	vand.u32 $0xFFFFFC00, v35;
	s25 =	sor.u32 s3, s26;
	v7 =	vadd.f32 v5, v7;
	v14 =	vld [tilespmem:s31+$0x200];
	v17 =	vadd.s32 $0x6000, v6  }
0x115: {  	v60 =	vld [tilespmem:s25+$0x0];
	v11 =	vshll.u32 v15, $0x3;
	v6 =	vshll.u32 v1, $0x3;
	v18 =	vshll.u32 v12, $0x3  }
0x116: {  	v5 =	vld.idx.msk [tilespmem:v9+s15+$0x0], $0xffff;
	v9 =	vor.u32 v2, v16;
	v2 =	vand.u32 $0xFFFFFC00, v6;
	v6 =	vand.u32 $0x7F, v1  }
0x117: {  	v2 =	vor.u32 v2, v6;
	v6 =	vand.u32 $0x7F, v12;
	v1 =	vld.idx.msk [tilespmem:v10+s15+$0x0], $0xffff;
	v10 =	vand.u32 $0xFFFFFC00, v18  }
0x118: {  	s1 =	sor.u32 s1, s1;
	v15 =	vand.u32 $0x7F, v15;
	v12 =	vld [tilespmem:s30+$0x800];
	v30 =	vor.u32 $0x80, v2;
	v10 =	vor.u32 v10, v6  }
0x119: {  	s31 =	sor.u32 $0x380, s1;
	v6 =	vadd.f32 v8, v7;
	v8 =	vshll.u32 v13, $0x3;
	v31 =	vshll.u32 v14, $0x3;
	v2 =	vld.idx.msk [tilespmem:v17+s15+$0x0], $0xffff  }
0x11a: {  	v7 =	vor.u32 $0x100, v10;
	v10 =	vand.u32 $0x7F, v13;
	v13 =	vld [tilespmem:s31+$0x800];
	v8 =	vand.u32 $0xFFFFFC00, v8  }
0x11b: {  	s1 =	sor.u32 s3, s6;
	v9 =	vld.idx.msk [tilespmem:v9+s15+$0x0], $0xffff;
	v8 =	vor.u32 v8, v10;
	v10 =	vand.u32 $0x7F, v14;
	v14 =	vand.u32 $0xFFFFFC00, v31  }
0x11c: {  	v11 =	vand.u32 $0xFFFFFC00, v11;
	v8 =	vor.u32 $0x180, v8;
	v10 =	vor.u32 v14, v10;
	v14 =	vld [tilespmem:s1+$0x0]  }
0x11d: {  	s26 =	sor.u32 s3, s28;
	v16 =	vand.u32 $0x7F, v29;
	v11 =	vor.u32 v15, v11;
	v17 =	vand.u32 $0xFFFFFC00, v32;
	v18 =	vld.idx.msk [tilespmem:v30+s15+$0x0], $0xffff  }
0x11e: {  	v63 =	vld [tilespmem:s26+$0x0];
	v16 =	vor.u32 v17, v16;
	v15 =	vshll.u32 v12, $0x3;
	v10 =	vor.u32 $0x200, v10  }
0x11f: {  	v12 =	vand.u32 $0x7F, v12;
	v16 =	vor.u32 $0x280, v16;
	v15 =	vand.u32 $0xFFFFFC00, v15;
	v7 =	vld.idx.msk [tilespmem:v7+s15+$0x0], $0xffff  }
0x120: {  	v44 =	vshll.u32 v39, $0x3;
	v12 =	vor.u32 v15, v12;
	v15 =	vld [tilespmem:s4+$0x0];
	v0 =	vadd.f32 v9, v0  }
0x121: {  	s28 =	sor.u32 s3, s24;
	v12 =	vor.u32 $0x300, v12;
	v9 =	vshll.u32 v13, $0x3;
	v13 =	vand.u32 $0x7F, v13;
	v8 =	vld.idx.msk [tilespmem:v8+s15+$0x0], $0xffff  }
0x122: {  	v21 =	vld [tilespmem:s28+$0x0];
	v9 =	vand.u32 $0xFFFFFC00, v9;
	v19 =	vshll.u32 v14, $0x3;
	v0 =	vadd.f32 v18, v0  }
0x123: {  	s6 =	sor.u32 s3, s9;
	v14 =	vand.u32 $0x7F, v14;
	v10 =	vld.idx.msk [tilespmem:v10+s15+$0x0], $0xffff;
	v9 =	vor.u32 v9, v13;
	v13 =	vand.u32 $0xFFFFFC00, v19  }
0x124: {  	s9 =	sor.u32 s3, s10;
	s10 =	sor.u32 s3, s11;
	s11 =	sor.u32 s3, s12;
	v9 =	vor.u32 $0x380, v9;
	v13 =	vor.u32 v14, v13;
	v14 =	vld.idx.msk [tilespmem:v16+s15+$0x0], $0xffff;
	v0 =	vadd.f32 v7, v0  }
0x125: {  	v45 =	vand.u32 $0xFFFFFC00, v44;
	s12 =	sor.u32 s3, s14;
	s14 =	sor.u32 s3, s19;
	s19 =	sor.u32 s3, s16;
	v11 =	vadd.s32 $0x6080, v11;
	v7 =	vld [tilespmem:s6+$0x0];
	v13 =	vadd.s32 $0x2000, v13  }
0x126: {  	v55 =	vld [tilespmem:s19+$0x0];
	v17 =	vand.u32 $0x7F, v33;
	v37 =	vshll.u32 v15, $0x3;
	v0 =	vadd.f32 v8, v0  }
0x127: {  	v15 =	vand.u32 $0x7F, v15;
	v12 =	vld.idx.msk [tilespmem:v12+s15+$0x0], $0xffff;
	v38 =	vand.u32 $0xFFFFFC00, v37;
	v8 =	vor.u32 v17, v36  }
0x128: {  	v15 =	vor.u32 v15, v38;
	v8 =	vadd.s32 $0x2080, v8;
	v0 =	vadd.f32 v10, v0;
	v10 =	vld [tilespmem:s9+$0x0]  }
0x129: {  	v3 =	vadd.f32 v3, v6;
	v18 =	vand.u32 $0x7F, v34;
	v15 =	vadd.s32 $0x2100, v15;
	v9 =	vld.idx.msk [tilespmem:v9+s15+$0x0], $0xffff  }
0x12a: {  	v16 =	vor.u32 v18, v41;
	v42 =	vshll.u32 v7, $0x3;
	v13 =	vld.idx.msk [tilespmem:v13+s15+$0x0], $0xffff;
	v0 =	vadd.f32 v14, v0  }
0x12b: {  	v16 =	vadd.s32 $0x2180, v16;
	v7 =	vand.u32 $0x7F, v7;
	v14 =	vld [tilespmem:s10+$0x0];
	v43 =	vand.u32 $0xFFFFFC00, v42  }
0x12c: {  	v62 =	vshll.u32 v55, $0x3;
	v7 =	vor.u32 v7, v43;
	v0 =	vadd.f32 v12, v0;
	v12 =	vld [tilespmem:s11+$0x0]  }
0x12d: {  	v3 =	vadd.f32 v4, v3;
	v17 =	vand.u32 $0x7F, v39;
	v8 =	vld.idx.msk [tilespmem:v8+s15+$0x0], $0xffff;
	v7 =	vadd.s32 $0x2200, v7  }
0x12e: {  	v17 =	vor.u32 v17, v45;
	v15 =	vld.idx.msk [tilespmem:v15+s15+$0x0], $0xffff;
	v46 =	vshll.u32 v10, $0x3;
	v0 =	vadd.f32 v9, v0  }
0x12f: {  	v17 =	vadd.s32 $0x2280, v17;
	v10 =	vand.u32 $0x7F, v10;
	v9 =	vld [tilespmem:s12+$0x0];
	v47 =	vand.u32 $0xFFFFFC00, v46  }
0x130: {  	s13 =	sor.u32 s3, s17;
	v16 =	vld.idx.msk [tilespmem:v16+s15+$0x0], $0xffff;
	v48 =	vshll.u32 v14, $0x3;
	v10 =	vor.u32 v10, v47;
	v0 =	vadd.f32 v13, v0  }
0x131: {  	s20 =	simm.s32 $0x1;
	v14 =	vand.u32 $0x7F, v14;
	v13 =	vld [tilespmem:s13+$0x0];
	v49 =	vand.u32 $0xFFFFFC00, v48;
	v10 =	vadd.s32 $0x2300, v10  }
0x132: {  	s7 =	sand.u32 $0x3, s20;
	v50 =	vshll.u32 v12, $0x3;
	v7 =	vld.idx.msk [tilespmem:v7+s15+$0x0], $0xffff;
	v14 =	vor.u32 v14, v49;
	v0 =	vadd.f32 v8, v0  }
0x133: {  	s4 =	sshll.u32 s7, $0x5;
	v12 =	vand.u32 $0x7F, v12;
	v8 =	vld [tilespmem:s14+$0x0];
	v51 =	vand.u32 $0xFFFFFC00, v50;
	v14 =	vadd.s32 $0x2380, v14  }
0x134: {  	s17 =	sor.u32 s3, s22;
	v11 =	vld.idx.msk [tilespmem:v11+s15+$0x0], $0xffff;
	s4 =	sadd.s32 $0x100, s4;
	v52 =	vshll.u32 v9, $0x3;
	v12 =	vor.u32 v12, v51;
	v0 =	vadd.f32 v15, v0  }
0x135: {  	s8 =	sadd.s32 $0x10, s4;
	v9 =	vand.u32 $0x7F, v9;
	v15 =	vld [tilespmem:s17+$0x0];
	v53 =	vand.u32 $0xFFFFFC00, v52;
	v12 =	vadd.s32 $0x4000, v12  }
0x136: {  	s5 =	sor.u32 $0x380, s8;
	v17 =	vld.idx.msk [tilespmem:v17+s15+$0x0], $0xffff;
	v54 =	vshll.u32 v13, $0x3;
	v9 =	vor.u32 v9, v53;
	v0 =	vadd.f32 v16, v0  }
0x137: {  	v24 =	vld [tilespmem:s5+$0x800];
	s17 =	simm.s32 $0x100;
	v13 =	vand.u32 $0x7F, v13;
	v56 =	vand.u32 $0xFFFFFC00, v54;
	v9 =	vadd.s32 $0x4080, v9  }
0x138: {  	s22 =	sor.u32 s3, s18;
	s18 =	simm.s32 $0x20;
	v10 =	vld.idx.msk [tilespmem:v10+s15+$0x0], $0xffff;
	s1 =	sand.u32 $0xC00, s17;
	v57 =	vshll.u32 v8, $0x3;
	v0 =	vadd.f32 v7, v0;
	v7 =	vor.u32 v13, v56  }
0x139: {  	s24 =	sand.u32 $0x60, s18;
	s30 =	sadd.s32 $0x800, s1;
	v8 =	vand.u32 $0x7F, v8;
	v13 =	vld [tilespmem:s22+$0x0];
	v58 =	vand.u32 $0xFFFFFC00, v57;
	v7 =	vadd.s32 $0x4100, v7  }
0x13a: {  	v14 =	vld.idx.msk [tilespmem:v14+s15+$0x0], $0xffff;
	s0 =	sor.u32 s24, s30;
	v59 =	vshll.u32 v15, $0x3;
	v8 =	vor.u32 v8, v58;
	v15 =	vand.u32 $0x7F, v15  }
0x13b: {  	v38 =	vld [tilespmem:s0+$0x80];
	v0 =	vadd.f32 v17, v0;
	v61 =	vand.u32 $0xFFFFFC00, v59;
	v8 =	vadd.s32 $0x4180, v8  }
0x13c: {  	v19 =	vand.u32 $0xFFFFFC00, v62;
	v16 =	vand.u32 $0x7F, v55;
	v12 =	vld.idx.msk [tilespmem:v12+s15+$0x0], $0xffff;
	v15 =	vor.u32 v15, v61  }
0x13d: {  	s2 =	sor.u32 $0x10, s24;
	v16 =	vor.u32 v16, v19;
	v9 =	vld.idx.msk [tilespmem:v9+s15+$0x0], $0xffff;
	v15 =	vadd.s32 $0x4200, v15;
	v0 =	vadd.f32 v10, v0  }
0x13e: {  	v4 =	vshll.u32 v60, $0x3;
	s31 =	sor.u32 s2, s30;
	v16 =	vadd.s32 $0x4280, v16;
	v10 =	vshll.u32 v13, $0x3;
	v6 =	vld.idx.msk [tilespmem:v7+s15+$0x0], $0xffff  }
0x13f: {  	v13 =	vand.u32 $0x7F, v13;
	v10 =	vand.u32 $0xFFFFFC00, v10;
	v0 =	vadd.f32 v14, v0;
	v14 =	vld [tilespmem:s31+$0x0]  }
0x140: {  	s29 =	simm.s32 $0x620;
	v4 =	vand.u32 $0xFFFFFC00, v4;
	v7 =	vor.u32 v13, v10;
	v8 =	vld.idx.msk [tilespmem:v8+s15+$0x0], $0xffff  }
0x141: {  	v13 =	vld [tilespmem:s29+$0x0];
	v7 =	vadd.s32 $0x4300, v7;
	v0 =	vadd.f32 v12, v0;
	v12 =	vand.u32 $0x7F, v60  }
0x142: {  	v3 =	vadd.f32 v5, v3;
	v10 =	vld.idx.msk [tilespmem:v15+s15+$0x0], $0xffff;
	v4 =	vor.u32 v12, v4  }
0x143: {  	s3 =	simm.s32 $0xDCA0;
	v12 =	vld.idx.msk [tilespmem:v16+s15+$0x0], $0xffff;
	v0 =	vadd.f32 v9, v0;
	v4 =	vadd.s32 $0x4380, v4  }
0x144: {  	s19 =	simm.s32 $0x420;
	v1 =	vadd.f32 v1, v3;
	v9 =	vld [tilespmem:s3+$0x0]  }
0x145: {  	v5 =	vand.u32 $0x7F, v63;
	v3 =	vshll.u32 v21, $0x3;
	v0 =	vadd.f32 v6, v0;
	v6 =	vld [tilespmem:s19+$0x0]  }
0x146: {  	v3 =	vand.u32 $0xFFFFFC00, v3;
	v1 =	vadd.f32 v2, v1;
	v2 =	vshll.u32 v63, $0x3;
	v7 =	vld.idx.msk [tilespmem:v7+s15+$0x0], $0xffff  }
0x147: {  	v2 =	vand.u32 $0xFFFFFC00, v2;
	v15 =	vand.u32 $0x7F, v21;
	v0 =	vadd.f32 v8, v0;
	v8 =	vld [tilespmem:s31+$0x80]  }
0x148: {  	v41 =	vshll.u32 v38, $0x3;
	v22 =	vld.idx.msk [tilespmem:v4+s15+$0x0], $0xffff;
	v4 =	vor.u32 v5, v2;
	v5 =	vor.u32 v15, v3  }
0x149: {  	v2 =	vadd.f32 v11, v1;
	v0 =	vadd.f32 v10, v0;
	v10 =	vld [tilespmem:s31+$0x100];
	v3 =	vadd.s32 $0x6000, v4  }
0x14a: {  	s6 =	sand.u32 $0x180, s18;
	v1 =	vadd.s32 $0x6080, v5;
	v5 =	vld [tilespmem:s0+$0x0];
	v4 =	vadd.f32 v6, v9;
	v6 =	vshll.u32 v14, $0x3  }
0x14b: {  	s25 =	sor.u32 s6, s2;
	v9 =	vld [tilespmem:s31+$0x180];
	v0 =	vadd.f32 v12, v0;
	v12 =	vand.u32 $0x7F, v14;
	v6 =	vand.u32 $0xFFFFFC00, v6  }
0x14c: {  	v18 =	vand.u32 $0x7F, v38;
	v11 =	vld [tilespmem:s25+$0xDC80];
	v14 =	vshll.u32 v8, $0x3;
	v6 =	vor.u32 v12, v6  }
0x14d: {  	v8 =	vand.u32 $0x7F, v8;
	v4 =	vadd.f32 v13, v4;
	v12 =	vand.u32 $0xFFFFFC00, v14;
	v14 =	vld [tilespmem:s31+$0x200]  }
0x14e: {  	v15 =	vld [tilespmem:s31+$0x280];
	v0 =	vadd.f32 v7, v0;
	v8 =	vor.u32 v12, v8;
	v12 =	vshll.u32 v10, $0x3  }
0x14f: {  	s9 =	sor.u32 $0x300, s8;
	v7 =	vld [tilespmem:s25+$0x400];
	v10 =	vand.u32 $0x7F, v10;
	v8 =	vor.u32 $0x80, v8;
	v12 =	vand.u32 $0xFFFFFC00, v12  }
0x150: {  	v23 =	vld [tilespmem:s9+$0x800];
	s5 =	sadd.s32 $0x1880, s1;
	v29 =	vshll.u32 v5, $0x3;
	v10 =	vor.u32 v12, v10;
	v12 =	vshll.u32 v9, $0x3  }
0x151: {  	s11 =	sor.u32 s2, s5;
	v13 =	vld [tilespmem:s25+$0x600];
	v5 =	vand.u32 $0x7F, v5;
	v9 =	vand.u32 $0x7F, v9;
	v12 =	vand.u32 $0xFFFFFC00, v12  }
0x152: {  	v25 =	vld [tilespmem:s11+$0x0];
	v10 =	vor.u32 $0x100, v10;
	v9 =	vor.u32 v12, v9;
	v12 =	vshll.u32 v14, $0x3  }
0x153: {  	s8 =	sadd.s32 $0x1800, s1;
	v6 =	vld.idx.msk [tilespmem:v6+s15+$0x0], $0xffff;
	v14 =	vand.u32 $0x7F, v14;
	v9 =	vor.u32 $0x180, v9;
	v12 =	vand.u32 $0xFFFFFC00, v12  }
0x154: {  	s6 =	sadd.s32 $0x1900, s1;
	s10 =	sor.u32 s2, s8;
	v7 =	vadd.f32 v7, v11;
	v8 =	vld.idx.msk [tilespmem:v8+s15+$0x0], $0xffff;
	v11 =	vor.u32 v12, v14;
	v12 =	vshll.u32 v15, $0x3  }
0x155: {  	s12 =	sor.u32 s2, s6;
	v14 =	vand.u32 $0x7F, v15;
	v15 =	vld [tilespmem:s10+$0x0];
	v11 =	vor.u32 $0x200, v11;
	v12 =	vand.u32 $0xFFFFFC00, v12  }
0x156: {  	v26 =	vld [tilespmem:s12+$0x0];
	v7 =	vadd.f32 v13, v7;
	v13 =	vshll.u32 v23, $0x3;
	v12 =	vor.u32 v12, v14  }
0x157: {  	s9 =	sadd.s32 $0x1A00, s1;
	v13 =	vand.u32 $0xFFFFFC00, v13;
	v10 =	vld.idx.msk [tilespmem:v10+s15+$0x0], $0xffff;
	v14 =	vand.u32 $0x7F, v23;
	v12 =	vor.u32 $0x280, v12  }
0x158: {  	s14 =	sor.u32 s2, s9;
	v6 =	vadd.f32 v6, v7;
	v7 =	vld.idx.msk [tilespmem:v9+s15+$0x0], $0xffff;
	v9 =	vor.u32 v13, v14;
	v13 =	vshll.u32 v24, $0x3  }
0x159: {  	s7 =	sadd.s32 $0x1980, s1;
	v27 =	vld [tilespmem:s14+$0x0];
	v14 =	vand.u32 $0x7F, v24;
	v9 =	vor.u32 $0x300, v9;
	v13 =	vand.u32 $0xFFFFFC00, v13  }
0x15a: {  	s13 =	sor.u32 s2, s7;
	v6 =	vadd.f32 v8, v6;
	v8 =	vld.idx.msk [tilespmem:v11+s15+$0x0], $0xffff;
	v11 =	vor.u32 v13, v14;
	v13 =	vshll.u32 v15, $0x3  }
0x15b: {  	s12 =	sadd.s32 $0x1B80, s1;
	v14 =	vand.u32 $0x7F, v15;
	v15 =	vld [tilespmem:s13+$0x0];
	v11 =	vor.u32 $0x380, v11;
	v13 =	vand.u32 $0xFFFFFC00, v13  }
0x15c: {  	s23 =	sor.u32 s2, s12;
	v6 =	vadd.f32 v10, v6;
	v10 =	vld.idx.msk [tilespmem:v12+s15+$0x0], $0xffff;
	v12 =	vor.u32 v14, v13;
	v13 =	vshll.u32 v25, $0x3  }
0x15d: {  	v30 =	vld [tilespmem:s23+$0x0];
	s10 =	sadd.s32 $0x1A80, s1;
	v14 =	vand.u32 $0x7F, v25;
	v12 =	vadd.s32 $0x2000, v12;
	v13 =	vand.u32 $0xFFFFFC00, v13  }
0x15e: {  	s16 =	sor.u32 s2, s10;
	v6 =	vadd.f32 v7, v6;
	v7 =	vld.idx.msk [tilespmem:v9+s15+$0x0], $0xffff;
	v9 =	vor.u32 v14, v13;
	v13 =	vshll.u32 v26, $0x3  }
0x15f: {  	s11 =	sadd.s32 $0x1B00, s1;
	v28 =	vld [tilespmem:s16+$0x0];
	v14 =	vand.u32 $0x7F, v26;
	v9 =	vadd.s32 $0x2080, v9;
	v13 =	vand.u32 $0xFFFFFC00, v13  }
0x160: {  	s22 =	sor.u32 s2, s11;
	v6 =	vadd.f32 v8, v6;
	v8 =	vld.idx.msk [tilespmem:v11+s15+$0x0], $0xffff;
	v11 =	vor.u32 v14, v13;
	v13 =	vshll.u32 v15, $0x3  }
0x161: {  	s16 =	sadd.s32 $0x2900, s1;
	v14 =	vand.u32 $0x7F, v15;
	v15 =	vld [tilespmem:s22+$0x0];
	v11 =	vadd.s32 $0x2100, v11;
	v13 =	vand.u32 $0xFFFFFC00, v13  }
0x162: {  	v0 =	vadd.f32 v22, v0;
	s29 =	sor.u32 s2, s16;
	v6 =	vadd.f32 v10, v6;
	v10 =	vld.idx.msk [tilespmem:v12+s15+$0x0], $0xffff;
	v12 =	vor.u32 v14, v13  }
0x163: {  	v32 =	vld [tilespmem:s29+$0x0];
	s13 =	sadd.s32 $0x2800, s1;
	v13 =	vshll.u32 v27, $0x3;
	v14 =	vand.u32 $0x7F, v27;
	v12 =	vadd.s32 $0x2180, v12  }
0x164: {  	s26 =	sor.u32 s2, s13;
	v13 =	vand.u32 $0xFFFFFC00, v13;
	v6 =	vadd.f32 v7, v6;
	v7 =	vld.idx.msk [tilespmem:v9+s15+$0x0], $0xffff;
	v9 =	vshll.u32 v28, $0x3  }
0x165: {  	s14 =	sadd.s32 $0x2880, s1;
	v31 =	vld [tilespmem:s26+$0x0];
	v13 =	vor.u32 v14, v13;
	v14 =	vand.u32 $0x7F, v28;
	v9 =	vand.u32 $0xFFFFFC00, v9  }
0x166: {  	s28 =	sor.u32 s2, s14;
	v13 =	vadd.s32 $0x2200, v13;
	v6 =	vadd.f32 v8, v6;
	v8 =	vld.idx.msk [tilespmem:v11+s15+$0x0], $0xffff;
	v9 =	vor.u32 v14, v9  }
0x167: {  	s23 =	sadd.s32 $0x2A00, s1;
	v11 =	vshll.u32 v15, $0x3;
	v14 =	vand.u32 $0x7F, v15;
	v15 =	vld [tilespmem:s28+$0x0];
	v9 =	vadd.s32 $0x2280, v9  }
0x168: {  	s26 =	sor.u32 s2, s23;
	s22 =	sadd.s32 $0x2980, s1;
	v11 =	vand.u32 $0xFFFFFC00, v11;
	v6 =	vadd.f32 v10, v6;
	v10 =	vld.idx.msk [tilespmem:v12+s15+$0x0], $0xffff;
	v12 =	vshll.u32 v30, $0x3  }
0x169: {  	v33 =	vld [tilespmem:s26+$0x0];
	s30 =	sor.u32 s2, s22;
	v11 =	vor.u32 v14, v11;
	v14 =	vand.u32 $0x7F, v30;
	v12 =	vand.u32 $0xFFFFFC00, v12  }
0x16a: {  	s26 =	sadd.s32 $0x2A80, s1;
	v11 =	vadd.s32 $0x2300, v11;
	v6 =	vadd.f32 v7, v6;
	v7 =	vor.u32 v14, v12;
	v12 =	vld [tilespmem:s30+$0x0]  }
0x16b: {  	v16 =	vand.u32 $0x7F, v31;
	s28 =	sor.u32 s2, s26;
	v13 =	vld.idx.msk [tilespmem:v13+s15+$0x0], $0xffff;
	v14 =	vshll.u32 v31, $0x3;
	v7 =	vadd.s32 $0x2380, v7  }
0x16c: {  	v34 =	vld [tilespmem:s28+$0x0];
	s28 =	sadd.s32 $0x2B00, s1;
	v14 =	vand.u32 $0xFFFFFC00, v14;
	v6 =	vadd.f32 v8, v6;
	v8 =	vshll.u32 v15, $0x3  }
0x16d: {  	s29 =	sor.u32 s2, s28;
	v15 =	vand.u32 $0x7F, v15;
	v9 =	vld.idx.msk [tilespmem:v9+s15+$0x0], $0xffff;
	v14 =	vor.u32 v16, v14;
	v8 =	vand.u32 $0xFFFFFC00, v8  }
0x16e: {  	v35 =	vld [tilespmem:s29+$0x0];
	v14 =	vadd.s32 $0x4000, v14;
	v6 =	vadd.f32 v10, v6;
	v8 =	vor.u32 v15, v8  }
0x16f: {  	v15 =	vand.u32 $0x7F, v32;
	v10 =	vld.idx.msk [tilespmem:v11+s15+$0x0], $0xffff;
	v11 =	vshll.u32 v32, $0x3;
	v8 =	vadd.s32 $0x4080, v8  }
0x170: {  	v39 =	vld [tilespmem:s0+$0x100];
	v11 =	vand.u32 $0xFFFFFC00, v11;
	v6 =	vadd.f32 v13, v6;
	v13 =	vshll.u32 v12, $0x3  }
0x171: {  	v12 =	vand.u32 $0x7F, v12;
	v7 =	vld.idx.msk [tilespmem:v7+s15+$0x0], $0xffff;
	v11 =	vor.u32 v15, v11;
	v13 =	vand.u32 $0xFFFFFC00, v13  }
0x172: {  	v40 =	vld [tilespmem:s0+$0x200];
	s29 =	sadd.s32 $0x2B80, s1;
	v11 =	vadd.s32 $0x4100, v11;
	v6 =	vadd.f32 v9, v6;
	v9 =	vor.u32 v12, v13  }
0x173: {  	s30 =	sor.u32 s2, s29;
	v17 =	vand.u32 $0x7F, v35;
	v13 =	vshll.u32 v33, $0x3;
	v12 =	vld.idx.msk [tilespmem:v14+s15+$0x0], $0xffff;
	v9 =	vadd.s32 $0x4180, v9  }
0x174: {  	v15 =	vld [tilespmem:s30+$0x0];
	s30 =	sadd.s32 $0x3800, s1;
	v14 =	vand.u32 $0x7F, v33;
	v13 =	vand.u32 $0xFFFFFC00, v13;
	v6 =	vadd.f32 v10, v6  }
0x175: {  	s31 =	sor.u32 s2, s30;
	v10 =	vshll.u32 v34, $0x3;
	v8 =	vld.idx.msk [tilespmem:v8+s15+$0x0], $0xffff;
	v13 =	vor.u32 v14, v13;
	v14 =	vand.u32 $0x7F, v34  }
0x176: {  	v36 =	vld [tilespmem:s31+$0x0];
	v10 =	vand.u32 $0xFFFFFC00, v10;
	v13 =	vadd.s32 $0x4200, v13;
	v6 =	vadd.f32 v7, v6  }
0x177: {  	s23 =	sor.u32 s24, s23;
	v7 =	vor.u32 v14, v10;
	v10 =	vand.u32 $0xFFFFFC00, v29;
	v14 =	vshll.u32 v35, $0x3;
	v11 =	vld.idx.msk [tilespmem:v11+s15+$0x0], $0xffff  }
0x178: {  	v57 =	vld [tilespmem:s23+$0x0];
	s1 =	sadd.s32 $0x3880, s1;
	v7 =	vadd.s32 $0x4280, v7;
	v14 =	vand.u32 $0xFFFFFC00, v14;
	v6 =	vadd.f32 v12, v6  }
0x179: {  	s2 =	sor.u32 s2, s1;
	v5 =	vor.u32 v5, v10;
	v9 =	vld.idx.msk [tilespmem:v9+s15+$0x0], $0xffff;
	v12 =	vor.u32 v17, v14;
	v14 =	vshll.u32 v15, $0x3  }
0x17a: {  	v37 =	vld [tilespmem:s2+$0x0];
	v15 =	vand.u32 $0x7F, v15;
	v14 =	vand.u32 $0xFFFFFC00, v14;
	v6 =	vadd.f32 v8, v6  }
0x17b: {  	s31 =	sor.u32 $0x300, s4;
	v8 =	vadd.s32 $0x4300, v12;
	v12 =	vld.idx.msk [tilespmem:v13+s15+$0x0], $0xffff;
	v13 =	vor.u32 v15, v14;
	v14 =	vshll.u32 v36, $0x3  }
0x17c: {  	v42 =	vld [tilespmem:s31+$0x800];
	v19 =	vand.u32 $0x7F, v36;
	v14 =	vand.u32 $0xFFFFFC00, v14;
	v6 =	vadd.f32 v11, v6  }
0x17d: {  	v10 =	vand.u32 $0xFFFFFC00, v41;
	v15 =	vld [tilespmem:s0+$0x180];
	v11 =	vadd.s32 $0x4380, v13;
	v13 =	vor.u32 v19, v14  }
0x17e: {  	s4 =	sor.u32 s24, s8;
	v10 =	vor.u32 v10, v18;
	v7 =	vld.idx.msk [tilespmem:v7+s15+$0x0], $0xffff;
	v13 =	vadd.s32 $0x6000, v13;
	v6 =	vadd.f32 v9, v6  }
0x17f: {  	v44 =	vld [tilespmem:s4+$0x0];
	v16 =	vand.u32 $0x7F, v37;
	v10 =	vor.u32 $0x80, v10;
	v14 =	vshll.u32 v37, $0x3  }
0x180: {  	v14 =	vand.u32 $0xFFFFFC00, v14;
	v8 =	vld.idx.msk [tilespmem:v8+s15+$0x0], $0xffff;
	v6 =	vadd.f32 v12, v6;
	v12 =	vshll.u32 v39, $0x3  }
0x181: {  	v17 =	vand.u32 $0x7F, v39;
	v9 =	vld [tilespmem:s0+$0x280];
	v14 =	vor.u32 v16, v14;
	v12 =	vand.u32 $0xFFFFFC00, v12  }
0x182: {  	v60 =	vshll.u32 v57, $0x3;
	v14 =	vadd.s32 $0x6080, v14;
	v11 =	vld.idx.msk [tilespmem:v11+s15+$0x0], $0xffff;
	v12 =	vor.u32 v12, v17  }
0x183: {  	v6 =	vadd.f32 v7, v6;
	v7 =	vld.idx.msk [tilespmem:v13+s15+$0x0], $0xffff;
	v13 =	vand.u32 $0x7F, v15;
	v15 =	vshll.u32 v15, $0x3  }
0x184: {  	s2 =	sor.u32 s17, s18;
	v47 =	vshll.u32 v44, $0x3;
	v45 =	vld.idx.msk [tilespmem:v5+s15+$0x0], $0xffff;
	v12 =	vor.u32 $0x100, v12;
	v15 =	vand.u32 $0xFFFFFC00, v15  }
0x185: {  	s0 =	sor.u32 $0x380, s2;
	v10 =	vld.idx.msk [tilespmem:v10+s15+$0x0], $0xffff;
	v6 =	vadd.f32 v8, v6;
	v8 =	vshll.u32 v40, $0x3;
	v13 =	vor.u32 v15, v13  }
0x186: {  	v43 =	vld [tilespmem:s0+$0x800];
	v15 =	vand.u32 $0x7F, v40;
	v8 =	vand.u32 $0xFFFFFC00, v8;
	v13 =	vor.u32 $0x180, v13  }
0x187: {  	s5 =	sor.u32 s24, s5;
	v14 =	vld.idx.msk [tilespmem:v14+s15+$0x0], $0xffff;
	v5 =	vor.u32 v8, v15;
	v6 =	vadd.f32 v11, v6;
	v15 =	vshll.u32 v42, $0x3  }
0x188: {  	s9 =	sor.u32 s24, s9;
	v8 =	vld [tilespmem:s5+$0x0];
	v11 =	vor.u32 $0x200, v5;
	v5 =	vand.u32 $0x7F, v9;
	v9 =	vshll.u32 v9, $0x3  }
0x189: {  	v48 =	vld [tilespmem:s9+$0x0];
	v4 =	vadd.f32 v45, v4;
	v15 =	vand.u32 $0xFFFFFC00, v15;
	v9 =	vand.u32 $0xFFFFFC00, v9  }
0x18a: {  	s6 =	sor.u32 s24, s6;
	v6 =	vadd.f32 v7, v6;
	v12 =	vld.idx.msk [tilespmem:v12+s15+$0x0], $0xffff;
	v5 =	vor.u32 v9, v5;
	v9 =	vand.u32 $0x7F, v42  }
0x18b: {  	v4 =	vadd.f32 v10, v4;
	v7 =	vld [tilespmem:s6+$0x0];
	v46 =	vor.u32 $0x280, v5;
	v9 =	vor.u32 v15, v9  }
0x18c: {  	s8 =	sor.u32 s24, s7;
	v5 =	vadd.f32 v14, v6;
	v14 =	vshll.u32 v43, $0x3;
	v13 =	vld.idx.msk [tilespmem:v13+s15+$0x0], $0xffff;
	v15 =	vand.u32 $0x7F, v43  }
0x18d: {  	v6 =	vld [tilespmem:s8+$0x0];
	v9 =	vor.u32 $0x300, v9;
	v14 =	vand.u32 $0xFFFFFC00, v14;
	v49 =	vshll.u32 v8, $0x3  }
0x18e: {  	s11 =	sor.u32 s24, s11;
	v8 =	vand.u32 $0x7F, v8;
	v10 =	vor.u32 v14, v15;
	v14 =	vand.u32 $0xFFFFFC00, v47;
	v11 =	vld.idx.msk [tilespmem:v11+s15+$0x0], $0xffff  }
0x18f: {  	v52 =	vld [tilespmem:s11+$0x0];
	v15 =	vand.u32 $0x7F, v44;
	v10 =	vor.u32 $0x380, v10;
	v4 =	vadd.f32 v12, v4  }
0x190: {  	s10 =	sor.u32 s24, s10;
	v12 =	vor.u32 v15, v14;
	v14 =	vand.u32 $0xFFFFFC00, v49;
	v51 =	vshll.u32 v7, $0x3;
	v15 =	vld.idx.msk [tilespmem:v46+s15+$0x0], $0xffff  }
0x191: {  	v50 =	vld [tilespmem:s10+$0x0];
	v12 =	vadd.s32 $0x2000, v12;
	v8 =	vor.u32 v8, v14;
	v4 =	vadd.f32 v13, v4  }
0x192: {  	s12 =	sor.u32 s24, s12;
	v7 =	vand.u32 $0x7F, v7;
	v13 =	vand.u32 $0xFFFFFC00, v51;
	v8 =	vadd.s32 $0x2080, v8;
	v9 =	vld.idx.msk [tilespmem:v9+s15+$0x0], $0xffff  }
0x193: {  	v53 =	vld [tilespmem:s12+$0x0];
	v14 =	vshll.u32 v6, $0x3;
	v6 =	vand.u32 $0x7F, v6;
	v4 =	vadd.f32 v11, v4  }
0x194: {  	s14 =	sor.u32 s24, s14;
	v7 =	vor.u32 v7, v13;
	v13 =	vshll.u32 v48, $0x3;
	v11 =	vand.u32 $0xFFFFFC00, v14;
	v10 =	vld.idx.msk [tilespmem:v10+s15+$0x0], $0xffff  }
0x195: {  	v54 =	vld [tilespmem:s14+$0x0];
	v7 =	vadd.s32 $0x2100, v7;
	v6 =	vor.u32 v6, v11;
	v4 =	vadd.f32 v15, v4  }
0x196: {  	s13 =	sor.u32 s24, s13;
	v11 =	vand.u32 $0xFFFFFC00, v13;
	v13 =	vand.u32 $0x7F, v48;
	v12 =	vld.idx.msk [tilespmem:v12+s15+$0x0], $0xffff;
	v6 =	vadd.s32 $0x2180, v6  }
0x197: {  	v14 =	vld [tilespmem:s13+$0x0];
	v15 =	vshll.u32 v50, $0x3;
	v4 =	vadd.f32 v9, v4;
	v9 =	vor.u32 v13, v11  }
0x198: {  	s16 =	sor.u32 s24, s16;
	v8 =	vld.idx.msk [tilespmem:v8+s15+$0x0], $0xffff;
	v11 =	vand.u32 $0xFFFFFC00, v15;
	v13 =	vand.u32 $0x7F, v50;
	v15 =	vshll.u32 v52, $0x3  }
0x199: {  	v55 =	vld [tilespmem:s16+$0x0];
	v9 =	vadd.s32 $0x2200, v9;
	v4 =	vadd.f32 v10, v4;
	v10 =	vor.u32 v13, v11  }
0x19a: {  	s22 =	sor.u32 s24, s22;
	v7 =	vld.idx.msk [tilespmem:v7+s15+$0x0], $0xffff;
	v11 =	vand.u32 $0xFFFFFC00, v15;
	v13 =	vand.u32 $0x7F, v52;
	v15 =	vshll.u32 v53, $0x3  }
0x19b: {  	v56 =	vld [tilespmem:s22+$0x0];
	v10 =	vadd.s32 $0x2280, v10;
	v11 =	vor.u32 v13, v11;
	v4 =	vadd.f32 v12, v4  }
0x19c: {  	s29 =	sor.u32 s24, s29;
	v6 =	vld.idx.msk [tilespmem:v6+s15+$0x0], $0xffff;
	v13 =	vand.u32 $0x7F, v53;
	v12 =	vand.u32 $0xFFFFFC00, v15;
	v11 =	vadd.s32 $0x2300, v11  }
0x19d: {  	v59 =	vld [tilespmem:s29+$0x0];
	v15 =	vshll.u32 v14, $0x3;
	v4 =	vadd.f32 v8, v4;
	v8 =	vor.u32 v13, v12  }
0x19e: {  	v12 =	vand.u32 $0xFFFFFC00, v15;
	v9 =	vld.idx.msk [tilespmem:v9+s15+$0x0], $0xffff;
	v13 =	vand.u32 $0x7F, v14;
	v14 =	vshll.u32 v54, $0x3  }
0x19f: {  	v8 =	vadd.s32 $0x2380, v8;
	v4 =	vadd.f32 v7, v4;
	v7 =	vor.u32 v13, v12  }
0x1a0: {  	s26 =	sor.u32 s24, s26;
	v12 =	vand.u32 $0xFFFFFC00, v14;
	v10 =	vld.idx.msk [tilespmem:v10+s15+$0x0], $0xffff;
	v13 =	vand.u32 $0x7F, v54;
	v14 =	vshll.u32 v55, $0x3  }
0x1a1: {  	v15 =	vld [tilespmem:s26+$0x0];
	v7 =	vadd.s32 $0x4000, v7;
	v4 =	vadd.f32 v6, v4;
	v6 =	vor.u32 v13, v12  }
0x1a2: {  	[tilespmem:s21+$0xDC80] =	vst v2;
	s28 =	sor.u32 s24, s28;
	v2 =	vand.u32 $0x7F, v59;
	v11 =	vld.idx.msk [tilespmem:v11+s15+$0x0], $0xffff;
	v12 =	vand.u32 $0xFFFFFC00, v14;
	v6 =	vadd.s32 $0x4080, v6  }
0x1a3: {  	v58 =	vld [tilespmem:s28+$0x0];
	v13 =	vand.u32 $0x7F, v55;
	v14 =	vshll.u32 v56, $0x3;
	v9 =	vadd.f32 v9, v4  }
0x1a4: {  	s30 =	sor.u32 s24, s30;
	v4 =	vor.u32 v13, v12;
	v12 =	vand.u32 $0xFFFFFC00, v14;
	v8 =	vld.idx.msk [tilespmem:v8+s15+$0x0], $0xffff;
	v14 =	vand.u32 $0x7F, v56  }
0x1a5: {  	v13 =	vadd.s32 $0x4100, v4;
	v4 =	vld [tilespmem:s30+$0x0];
	v9 =	vadd.f32 v10, v9;
	v10 =	vor.u32 v14, v12  }
0x1a6: {  	v12 =	vand.u32 $0xFFFFFC00, v60;
	v7 =	vld.idx.msk [tilespmem:v7+s15+$0x0], $0xffff;
	v14 =	vand.u32 $0x7F, v57;
	v10 =	vadd.s32 $0x4180, v10  }
0x1a7: {  	v61 =	vshll.u32 v15, $0x3;
	v9 =	vadd.f32 v11, v9;
	v62 =	vld.idx.msk [tilespmem:v6+s15+$0x0], $0xffff;
	v6 =	vor.u32 v14, v12  }
0x1a8: {  	v3 =	vld.idx.msk [tilespmem:v3+s15+$0x0], $0xffff;
	s31 =	sor.u32 s24, s1;
	v11 =	vand.u32 $0xFFFFFC00, v61;
	v14 =	vand.u32 $0x7F, v15;
	v12 =	vadd.s32 $0x4200, v6  }
0x1a9: {  	v15 =	vshll.u32 v58, $0x3;
	v6 =	vld [tilespmem:s31+$0x0];
	v11 =	vor.u32 v14, v11;
	v8 =	vadd.f32 v8, v9  }
0x1aa: {  	v14 =	vand.u32 $0x7F, v58;
	v9 =	vld.idx.msk [tilespmem:v13+s15+$0x0], $0xffff;
	v13 =	vand.u32 $0xFFFFFC00, v15;
	v11 =	vadd.s32 $0x4280, v11  }
0x1ab: {  	v15 =	vshll.u32 v59, $0x3;
	v63 =	vadd.f32 v7, v8;
	v8 =	vld.idx.msk [tilespmem:v10+s15+$0x0], $0xffff;
	v7 =	vor.u32 v14, v13  }
0x1ac: {  	v13 =	vand.u32 $0xFFFFFC00, v15;
	v14 =	vshll.u32 v4, $0x3;
	v10 =	vadd.s32 $0x4300, v7;
	v7 =	vld.idx.msk [tilespmem:v1+s15+$0x0], $0xffff  }
0x1ad: {  	s24 =	simm.s32 $0x2;
	s2 =	simm.s32 $0xDCA0;
	[tilespmem:s25+$0xDC80] =	vst v5;
	s25 =	simm.s32 $0x640;
	v1 =	vadd.f32 v62, v63;
	v5 =	vld.idx.msk [tilespmem:v12+s15+$0x0], $0xffff;
	v12 =	vor.u32 v2, v13;
	v2 =	vand.u32 $0xFFFFFC00, v14  }
.LBB2_4:
0x1ae: {  	s3 =	sadd.s32 $0x20, s3  }
0x1af: {  	s17 =	sadd.s32 $0x100, s17;
	s18 =	sadd.s32 $0x20, s18;
	s20 =	sadd.s32 $0x1, s20  }
0x1b0: {  	v13 =	vld [tilespmem:s25+$0x0];
	s5 =	sand.u32 $0x60, s18;
	s9 =	sand.u32 $0xC00, s17;
	s1 =	sor.u32 s17, s18  }
0x1b1: {  	v4 =	vand.u32 $0x7F, v4;
	v11 =	vld.idx.msk [tilespmem:v11+s15+$0x0], $0xffff;
	s22 =	sand.u32 $0x180, s18;
	v0 =	vadd.f32 v3, v0;
	s0 =	sadd.s32 $0x800, s9;
	s7 =	sor.u32 $0x10, s5  }
0x1b2: {  	s1 =	sor.u32 $0x380, s1;
	s29 =	sor.u32 s5, s0;
	s0 =	sor.u32 s7, s0;
	v9 =	vadd.f32 v9, v1;
	v1 =	vor.u32 v4, v2;
	v4 =	vld [tilespmem:s3+$0x0]  }
0x1b3: {  	s23 =	sand.u32 $0x3, s20;
	[dreg:$0x9] =	wrdreg s1;
	s1 =	sor.u32 s22, s7;
	v14 =	vshll.u32 v6, $0x3;
	v0 =	vadd.f32 v7, v0;
	v7 =	vld [tilespmem:s0+$0x0]  }
0x1b4: {  	v12 =	vadd.s32 $0x4380, v12;
	s16 =	smov.u32 s2;
	s2 =	sshll.u32 s23, $0x5;
	v2 =	vand.u32 $0xFFFFFC00, v14;
	v14 =	vld [tilespmem:s1+$0x400]  }
0x1b5: {  	s19 =	sadd.s32 $0x20, s19;
	s2 =	sadd.s32 s2, s17;
	v6 =	vand.u32 $0x7F, v6;
	v3 =	vadd.f32 v8, v9;
	v8 =	vld.idx.msk [tilespmem:v10+s15+$0x0], $0xffff  }
0x1b6: {  	s26 =	sadd.s32 $0x10, s2;
	v2 =	vor.u32 v6, v2;
	v6 =	vld [tilespmem:s19+$0x0]  }
0x1b7: {  	s4 =	sor.u32 $0x300, s2;
	s2 =	sor.u32 $0x300, s26;
	v9 =	vld [tilespmem:s0+$0x80]  }
0x1b8: {  	v18 =	vld [tilespmem:s2+$0x800]  }
0x1b9: {  	s14 =	rddreg [dreg:$0x7];
	v3 =	vadd.f32 v5, v3;
	v5 =	vld.idx.msk [tilespmem:v12+s15+$0x0], $0xffff  }
0x1ba: {  	[tilespmem:s14+$0x0] =	vst v0;
	v12 =	vld [tilespmem:s1+$0xDC80]  }
0x1bb: {  	v10 =	vld [tilespmem:s29+$0x0];
	v0 =	vadd.f32 v11, v3  }
0x1bc: {  	v3 =	vadd.f32 v6, v4  }
0x1bd: {  	v6 =	vld [tilespmem:s0+$0x100];
	v0 =	vadd.f32 v8, v0  }
0x1be: {  	v4 =	vld [tilespmem:s29+$0x80];
	v33 =	vand.u32 $0x7F, v18;
	v8 =	vshll.u32 v7, $0x3;
	v3 =	vadd.f32 v13, v3  }
0x1bf: {  	v11 =	vld [tilespmem:s0+$0x180];
	v12 =	vadd.f32 v14, v12;
	v0 =	vadd.f32 v5, v0;
	v5 =	vand.u32 $0x7F, v7  }
0x1c0: {  	v7 =	vand.u32 $0xFFFFFC00, v8;
	v8 =	vshll.u32 v9, $0x3;
	v13 =	vshll.u32 v10, $0x3  }
0x1c1: {  	v7 =	vor.u32 v5, v7;
	v5 =	vand.u32 $0x7F, v9;
	v8 =	vand.u32 $0xFFFFFC00, v8  }
0x1c2: {  	v9 =	vld [tilespmem:s0+$0x200];
	v5 =	vor.u32 v8, v5;
	v8 =	vshll.u32 v6, $0x3;
	v6 =	vand.u32 $0x7F, v6  }
0x1c3: {  	v19 =	vshll.u32 v4, $0x3;
	v4 =	vand.u32 $0x7F, v4;
	v8 =	vand.u32 $0xFFFFFC00, v8  }
0x1c4: {  	s28 =	sadd.s32 $0x1800, s9;
	v16 =	vld [tilespmem:s0+$0x280];
	v15 =	vor.u32 $0x80, v5;
	v6 =	vor.u32 v8, v6;
	v8 =	vshll.u32 v11, $0x3  }
0x1c5: {  	s30 =	sor.u32 s7, s28;
	v5 =	vand.u32 $0xFFFFFC00, v13;
	v13 =	vld [tilespmem:s1+$0x600];
	v11 =	vand.u32 $0x7F, v11;
	v8 =	vand.u32 $0xFFFFFC00, v8  }
0x1c6: {  	v32 =	vld [tilespmem:s30+$0x0];
	v17 =	vor.u32 $0x100, v6;
	v6 =	vand.u32 $0x7F, v10;
	v8 =	vor.u32 v8, v11  }
0x1c7: {  	s0 =	sor.u32 $0x380, s26;
	v7 =	vld.idx.msk [tilespmem:v7+s15+$0x0], $0xffff;
	v10 =	vshll.u32 v9, $0x3;
	v9 =	vand.u32 $0x7F, v9;
	v5 =	vor.u32 v6, v5  }
0x1c8: {  	s6 =	sadd.s32 $0x1900, s9;
	v11 =	vld [tilespmem:s0+$0x800];
	v6 =	vand.u32 $0xFFFFFC00, v19;
	v8 =	vor.u32 $0x180, v8;
	v10 =	vand.u32 $0xFFFFFC00, v10  }
0x1c9: {  	s11 =	sor.u32 s7, s6;
	v14 =	vld.idx.msk [tilespmem:v15+s15+$0x0], $0xffff;
	v9 =	vor.u32 v10, v9;
	v10 =	vshll.u32 v16, $0x3;
	v15 =	vand.u32 $0x7F, v16  }
0x1ca: {  	s31 =	sadd.s32 $0x1880, s9;
	v35 =	vld [tilespmem:s11+$0x0];
	v12 =	vadd.f32 v13, v12;
	v9 =	vor.u32 $0x200, v9;
	v10 =	vand.u32 $0xFFFFFC00, v10  }
0x1cb: {  	[dreg:$0xa] =	wrdreg s4;
	s4 =	sor.u32 s7, s31;
	v4 =	vor.u32 v6, v4;
	v13 =	vld.idx.msk [tilespmem:v17+s15+$0x0], $0xffff;
	v10 =	vor.u32 v10, v15;
	v15 =	vshll.u32 v18, $0x3  }
0x1cc: {  	[dreg:$0x7] =	wrdreg s16;
	s21 =	smov.u32 s3;
	s16 =	sadd.s32 $0x1A00, s9;
	v34 =	vld [tilespmem:s4+$0x0];
	v10 =	vor.u32 $0x280, v10;
	v15 =	vand.u32 $0xFFFFFC00, v15;
	v7 =	vadd.f32 v7, v12  }
0x1cd: {  	[dreg:$0x8] =	wrdreg s21;
	s21 =	sor.u32 s7, s16;
	v8 =	vld.idx.msk [tilespmem:v8+s15+$0x0], $0xffff;
	v12 =	vor.u32 v15, v33;
	v15 =	vshll.u32 v11, $0x3;
	v11 =	vand.u32 $0x7F, v11  }
0x1ce: {  	s13 =	sadd.s32 $0x1980, s9;
	v37 =	vld [tilespmem:s21+$0x0];
	v12 =	vor.u32 $0x300, v12;
	v15 =	vand.u32 $0xFFFFFC00, v15;
	v7 =	vadd.f32 v14, v7  }
0x1cf: {  	s14 =	sor.u32 s7, s13;
	v14 =	vshll.u32 v32, $0x3;
	v9 =	vld.idx.msk [tilespmem:v9+s15+$0x0], $0xffff;
	v11 =	vor.u32 v15, v11;
	v15 =	vand.u32 $0x7F, v32  }
0x1d0: {  	s22 =	sadd.s32 $0x1A80, s9;
	v36 =	vld [tilespmem:s14+$0x0];
	v14 =	vand.u32 $0xFFFFFC00, v14;
	v11 =	vor.u32 $0x380, v11;
	v7 =	vadd.f32 v13, v7  }
0x1d1: {  	s23 =	sor.u32 s7, s22;
	v13 =	vor.u32 v15, v14;
	v14 =	vshll.u32 v34, $0x3;
	v15 =	vand.u32 $0x7F, v34;
	v10 =	vld.idx.msk [tilespmem:v10+s15+$0x0], $0xffff  }
0x1d2: {  	s8 =	sor.u32 s5, s31;
	v38 =	vld [tilespmem:s23+$0x0];
	s31 =	sadd.s32 $0x1B80, s9;
	v13 =	vadd.s32 $0x2000, v13;
	v14 =	vand.u32 $0xFFFFFC00, v14;
	v7 =	vadd.f32 v8, v7  }
0x1d3: {  	s4 =	sor.u32 s7, s31;
	v8 =	vld.idx.msk [tilespmem:v12+s15+$0x0], $0xffff;
	v12 =	vor.u32 v15, v14;
	v14 =	vshll.u32 v35, $0x3;
	v15 =	vand.u32 $0x7F, v35  }
0x1d4: {  	v40 =	vld [tilespmem:s4+$0x0];
	s26 =	sadd.s32 $0x1B00, s9;
	v12 =	vadd.s32 $0x2080, v12;
	v14 =	vand.u32 $0xFFFFFC00, v14;
	v7 =	vadd.f32 v9, v7  }
0x1d5: {  	s30 =	sor.u32 s7, s26;
	v9 =	vld.idx.msk [tilespmem:v11+s15+$0x0], $0xffff;
	v11 =	vor.u32 v15, v14;
	v14 =	vshll.u32 v36, $0x3;
	v15 =	vand.u32 $0x7F, v36  }
0x1d6: {  	v39 =	vld [tilespmem:s30+$0x0];
	v11 =	vadd.s32 $0x2100, v11;
	v14 =	vand.u32 $0xFFFFFC00, v14;
	v7 =	vadd.f32 v10, v7  }
0x1d7: {  	v10 =	vld.idx.msk [tilespmem:v13+s15+$0x0], $0xffff;
	v13 =	vor.u32 v15, v14;
	v14 =	vshll.u32 v37, $0x3;
	v15 =	vand.u32 $0x7F, v37  }
0x1d8: {  	s12 =	sor.u32 s5, s6;
	s6 =	sadd.s32 $0x2800, s9;
	v51 =	vld [tilespmem:s29+$0x180];
	v13 =	vadd.s32 $0x2180, v13;
	v14 =	vand.u32 $0xFFFFFC00, v14;
	v7 =	vadd.f32 v8, v7  }
0x1d9: {  	s14 =	sor.u32 s5, s16;
	s16 =	sor.u32 s7, s6;
	v8 =	vld.idx.msk [tilespmem:v12+s15+$0x0], $0xffff;
	v12 =	vor.u32 v15, v14;
	v14 =	vshll.u32 v38, $0x3;
	v15 =	vand.u32 $0x7F, v38  }
0x1da: {  	s21 =	sadd.s32 $0x2880, s9;
	v41 =	vld [tilespmem:s16+$0x0];
	v12 =	vadd.s32 $0x2200, v12;
	v14 =	vand.u32 $0xFFFFFC00, v14;
	v7 =	vadd.f32 v9, v7  }
0x1db: {  	s10 =	sor.u32 s5, s28;
	s28 =	sor.u32 s5, s26;
	s26 =	sor.u32 s7, s21;
	v9 =	vld.idx.msk [tilespmem:v11+s15+$0x0], $0xffff;
	v11 =	vor.u32 v15, v14;
	v14 =	vshll.u32 v39, $0x3;
	v15 =	vand.u32 $0x7F, v39  }
0x1dc: {  	s30 =	sor.u32 s5, s31;
	s31 =	sadd.s32 $0x2900, s9;
	v42 =	vld [tilespmem:s26+$0x0];
	v11 =	vadd.s32 $0x2280, v11;
	v14 =	vand.u32 $0xFFFFFC00, v14;
	v7 =	vadd.f32 v10, v7  }
0x1dd: {  	s11 =	sor.u32 s5, s13;
	s4 =	sor.u32 s7, s31;
	v10 =	vld.idx.msk [tilespmem:v13+s15+$0x0], $0xffff;
	v13 =	vor.u32 v15, v14;
	v14 =	vshll.u32 v40, $0x3;
	v15 =	vand.u32 $0x7F, v40  }
0x1de: {  	s13 =	sor.u32 s5, s22;
	s22 =	sor.u32 s5, s6;
	s6 =	sadd.s32 $0x2980, s9;
	v43 =	vld [tilespmem:s4+$0x0];
	v13 =	vadd.s32 $0x2300, v13;
	v14 =	vand.u32 $0xFFFFFC00, v14;
	v7 =	vadd.f32 v8, v7  }
0x1df: {  	s16 =	sor.u32 s7, s6;
	v8 =	vld.idx.msk [tilespmem:v12+s15+$0x0], $0xffff;
	v12 =	vor.u32 v15, v14;
	v14 =	vshll.u32 v41, $0x3;
	v15 =	vand.u32 $0x7F, v41  }
0x1e0: {  	s23 =	sor.u32 s5, s21;
	v44 =	vld [tilespmem:s16+$0x0];
	s21 =	sadd.s32 $0x2A00, s9;
	v12 =	vadd.s32 $0x2380, v12;
	v14 =	vand.u32 $0xFFFFFC00, v14;
	v7 =	vadd.f32 v9, v7  }
0x1e1: {  	s26 =	sor.u32 s5, s6;
	s6 =	sor.u32 s7, s21;
	v9 =	vld.idx.msk [tilespmem:v11+s15+$0x0], $0xffff;
	v11 =	vor.u32 v15, v14;
	v14 =	vshll.u32 v42, $0x3;
	v15 =	vand.u32 $0x7F, v42  }
0x1e2: {  	s16 =	sadd.s32 $0x2A80, s9;
	v45 =	vld [tilespmem:s6+$0x0];
	v11 =	vadd.s32 $0x4000, v11;
	v14 =	vand.u32 $0xFFFFFC00, v14;
	v7 =	vadd.f32 v10, v7  }
0x1e3: {  	s4 =	sor.u32 s7, s16;
	v10 =	vld.idx.msk [tilespmem:v13+s15+$0x0], $0xffff;
	v13 =	vor.u32 v15, v14;
	v14 =	vshll.u32 v43, $0x3;
	v15 =	vand.u32 $0x7F, v43  }
0x1e4: {  	s2 =	sor.u32 s5, s31;
	s31 =	sor.u32 s5, s21;
	s21 =	sadd.s32 $0x2B00, s9;
	v46 =	vld [tilespmem:s4+$0x0];
	v13 =	vadd.s32 $0x4080, v13;
	v14 =	vand.u32 $0xFFFFFC00, v14;
	v7 =	vadd.f32 v8, v7  }
0x1e5: {  	s0 =	sor.u32 s5, s16;
	s16 =	sor.u32 s5, s21;
	s21 =	sor.u32 s7, s21;
	v8 =	vld.idx.msk [tilespmem:v12+s15+$0x0], $0xffff;
	v12 =	vor.u32 v15, v14;
	v14 =	vshll.u32 v44, $0x3;
	v15 =	vand.u32 $0x7F, v44  }
0x1e6: {  	s6 =	sadd.s32 $0x2B80, s9;
	v47 =	vld [tilespmem:s21+$0x0];
	v12 =	vadd.s32 $0x4100, v12;
	v14 =	vand.u32 $0xFFFFFC00, v14;
	v7 =	vadd.f32 v9, v7  }
0x1e7: {  	s4 =	sor.u32 s7, s6;
	v9 =	vld.idx.msk [tilespmem:v11+s15+$0x0], $0xffff;
	v11 =	vor.u32 v15, v14;
	v14 =	vshll.u32 v45, $0x3;
	v15 =	vand.u32 $0x7F, v45  }
0x1e8: {  	s21 =	sor.u32 s5, s6;
	s6 =	sadd.s32 $0x3800, s9;
	v48 =	vld [tilespmem:s4+$0x0];
	v11 =	vadd.s32 $0x4180, v11;
	v14 =	vand.u32 $0xFFFFFC00, v14;
	v7 =	vadd.f32 v10, v7  }
0x1e9: {  	s4 =	sor.u32 s5, s6;
	s6 =	sor.u32 s7, s6;
	v10 =	vld.idx.msk [tilespmem:v13+s15+$0x0], $0xffff;
	v13 =	vor.u32 v15, v14;
	v14 =	vshll.u32 v46, $0x3;
	v15 =	vand.u32 $0x7F, v46  }
0x1ea: {  	s9 =	sadd.s32 $0x3880, s9;
	v49 =	vld [tilespmem:s6+$0x0];
	v13 =	vadd.s32 $0x4200, v13;
	v14 =	vand.u32 $0xFFFFFC00, v14;
	v7 =	vadd.f32 v8, v7  }
0x1eb: {  	s7 =	sor.u32 s7, s9;
	v8 =	vld.idx.msk [tilespmem:v12+s15+$0x0], $0xffff;
	v12 =	vor.u32 v15, v14;
	v14 =	vshll.u32 v47, $0x3;
	v15 =	vand.u32 $0x7F, v47  }
0x1ec: {  	v50 =	vld [tilespmem:s7+$0x0];
	v12 =	vadd.s32 $0x4280, v12;
	v14 =	vand.u32 $0xFFFFFC00, v14;
	v7 =	vadd.f32 v9, v7  }
0x1ed: {  	v16 =	vand.u32 $0x7F, v48;
	v9 =	vld.idx.msk [tilespmem:v11+s15+$0x0], $0xffff;
	v11 =	vor.u32 v15, v14;
	v14 =	vshll.u32 v48, $0x3  }
0x1ee: {  	v15 =	vld [tilespmem:s29+$0x100];
	v11 =	vadd.s32 $0x4300, v11;
	v14 =	vand.u32 $0xFFFFFC00, v14;
	v7 =	vadd.f32 v10, v7  }
0x1ef: {  	v18 =	vand.u32 $0x7F, v49;
	v10 =	vld.idx.msk [tilespmem:v13+s15+$0x0], $0xffff;
	v13 =	vor.u32 v16, v14;
	v14 =	vshll.u32 v49, $0x3  }
0x1f0: {  	v52 =	vld [tilespmem:s29+$0x200];
	v13 =	vadd.s32 $0x4380, v13;
	v14 =	vand.u32 $0xFFFFFC00, v14;
	v7 =	vadd.f32 v8, v7  }
0x1f1: {  	v17 =	vand.u32 $0x7F, v50;
	v8 =	vld.idx.msk [tilespmem:v12+s15+$0x0], $0xffff;
	v12 =	vor.u32 v18, v14;
	v14 =	vshll.u32 v50, $0x3  }
0x1f2: {  	v5 =	vld.idx.msk [tilespmem:v5+s15+$0x0], $0xffff;
	v12 =	vadd.s32 $0x6000, v12;
	v14 =	vand.u32 $0xFFFFFC00, v14;
	v7 =	vadd.f32 v9, v7  }
0x1f3: {  	s5 =	sor.u32 s5, s9;
	s9 =	rddreg [dreg:$0xa];
	v4 =	vor.u32 $0x80, v4;
	v53 =	vshll.u32 v15, $0x3;
	v9 =	vld.idx.msk [tilespmem:v11+s15+$0x0], $0xffff;
	v11 =	vor.u32 v17, v14  }
0x1f4: {  	v6 =	vand.u32 $0x7F, v15;
	v15 =	vld [tilespmem:s9+$0x800];
	v11 =	vadd.s32 $0x6080, v11;
	v7 =	vadd.f32 v10, v7  }
0x1f5: {  	v1 =	vadd.s32 $0x6000, v1;
	v10 =	vld.idx.msk [tilespmem:v13+s15+$0x0], $0xffff;
	v13 =	vand.u32 $0xFFFFFC00, v53  }
0x1f6: {  	v55 =	vshll.u32 v52, $0x3;
	v14 =	vld [tilespmem:s29+$0x280];
	v6 =	vor.u32 v13, v6;
	v7 =	vadd.f32 v8, v7  }
0x1f7: {  	v3 =	vadd.f32 v5, v3;
	v13 =	vshll.u32 v51, $0x3;
	v8 =	vld.idx.msk [tilespmem:v12+s15+$0x0], $0xffff;
	v6 =	vor.u32 $0x100, v6  }
0x1f8: {  	v4 =	vld.idx.msk [tilespmem:v4+s15+$0x0], $0xffff;
	v12 =	vand.u32 $0x7F, v51;
	v13 =	vand.u32 $0xFFFFFC00, v13;
	v7 =	vadd.f32 v9, v7  }
0x1f9: {  	s29 =	rddreg [dreg:$0x9];
	v9 =	vld.idx.msk [tilespmem:v11+s15+$0x0], $0xffff;
	v11 =	vor.u32 v13, v12;
	v12 =	vand.u32 $0x7F, v52;
	v13 =	vand.u32 $0xFFFFFC00, v55  }
0x1fa: {  	v54 =	vld [tilespmem:s29+$0x800];
	v11 =	vor.u32 $0x180, v11;
	v12 =	vor.u32 v13, v12;
	v7 =	vadd.f32 v10, v7  }
0x1fb: {  	v13 =	vld [tilespmem:s10+$0x0];
	v10 =	vor.u32 $0x200, v12;
	v12 =	vand.u32 $0x7F, v14;
	v14 =	vshll.u32 v14, $0x3  }
0x1fc: {  	v56 =	vshll.u32 v15, $0x3;
	v6 =	vld.idx.msk [tilespmem:v6+s15+$0x0], $0xffff;
	v14 =	vand.u32 $0xFFFFFC00, v14;
	v7 =	vadd.f32 v8, v7  }
0x1fd: {  	v8 =	vor.u32 v14, v12;
	v12 =	vand.u32 $0x7F, v15;
	v14 =	vand.u32 $0xFFFFFC00, v56;
	v15 =	vld [tilespmem:s8+$0x0]  }
0x1fe: {  	v3 =	vadd.f32 v4, v3;
	v8 =	vor.u32 $0x280, v8;
	v12 =	vor.u32 v14, v12;
	v14 =	vld [tilespmem:s12+$0x0]  }
0x1ff: {  	v7 =	vadd.f32 v9, v7;
	v5 =	vld.idx.msk [tilespmem:v11+s15+$0x0], $0xffff;
	v9 =	vor.u32 $0x300, v12;
	v11 =	vshll.u32 v54, $0x3  }
0x200: {  	v58 =	vld [tilespmem:s14+$0x0];
	v12 =	vand.u32 $0x7F, v54;
	v57 =	vshll.u32 v13, $0x3;
	v11 =	vand.u32 $0xFFFFFC00, v11  }
0x201: {  	v10 =	vld.idx.msk [tilespmem:v10+s15+$0x0], $0xffff;
	[tilespmem:s1+$0xDC80] =	vst v7;
	v7 =	vand.u32 $0xFFFFFC00, v57;
	v4 =	vor.u32 v11, v12;
	v12 =	vand.u32 $0x7F, v13  }
0x202: {  	v11 =	vld [tilespmem:s11+$0x0];
	v3 =	vadd.f32 v6, v3;
	v4 =	vor.u32 $0x380, v4;
	v13 =	vshll.u32 v15, $0x3  }
0x203: {  	v7 =	vor.u32 v12, v7;
	v12 =	vand.u32 $0x7F, v15;
	v6 =	vld.idx.msk [tilespmem:v8+s15+$0x0], $0xffff;
	v8 =	vand.u32 $0xFFFFFC00, v13  }
0x204: {  	v15 =	vld [tilespmem:s28+$0x0];
	v7 =	vadd.s32 $0x2000, v7;
	v13 =	vshll.u32 v14, $0x3;
	v3 =	vadd.f32 v5, v3  }
0x205: {  	v5 =	vor.u32 v12, v8;
	v8 =	vand.u32 $0xFFFFFC00, v13;
	v12 =	vld [tilespmem:s13+$0x0];
	v13 =	vand.u32 $0x7F, v14  }
0x206: {  	v2 =	vadd.s32 $0x6080, v2;
	v9 =	vld.idx.msk [tilespmem:v9+s15+$0x0], $0xffff;
	v5 =	vadd.s32 $0x2080, v5;
	v8 =	vor.u32 v13, v8  }
0x207: {  	v13 =	vshll.u32 v58, $0x3;
	v14 =	vshll.u32 v11, $0x3;
	v3 =	vadd.f32 v10, v3;
	v4 =	vld.idx.msk [tilespmem:v4+s15+$0x0], $0xffff  }
0x208: {  	v8 =	vadd.s32 $0x2100, v8;
	v11 =	vand.u32 $0x7F, v11;
	v10 =	vand.u32 $0xFFFFFC00, v14;
	v14 =	vld [tilespmem:s30+$0x0]  }
0x209: {  	v3 =	vadd.f32 v6, v3;
	v6 =	vld.idx.msk [tilespmem:v7+s15+$0x0], $0xffff;
	v7 =	vor.u32 v11, v10;
	v10 =	vand.u32 $0xFFFFFC00, v13  }
0x20a: {  	v59 =	vld [tilespmem:s22+$0x0];
	v11 =	vand.u32 $0x7F, v58;
	v7 =	vadd.s32 $0x2180, v7;
	v13 =	vshll.u32 v12, $0x3  }
0x20b: {  	v3 =	vadd.f32 v9, v3;
	v5 =	vld.idx.msk [tilespmem:v5+s15+$0x0], $0xffff;
	v9 =	vor.u32 v11, v10;
	v10 =	vand.u32 $0xFFFFFC00, v13  }
0x20c: {  	v11 =	vand.u32 $0x7F, v12;
	v12 =	vshll.u32 v15, $0x3;
	v13 =	vld [tilespmem:s23+$0x0];
	v9 =	vadd.s32 $0x2200, v9  }
0x20d: {  	v3 =	vadd.f32 v4, v3;
	v4 =	vld.idx.msk [tilespmem:v8+s15+$0x0], $0xffff;
	v8 =	vor.u32 v11, v10;
	v10 =	vand.u32 $0xFFFFFC00, v12  }
0x20e: {  	v11 =	vand.u32 $0x7F, v15;
	v12 =	vshll.u32 v14, $0x3;
	v15 =	vld [tilespmem:s2+$0x0];
	v8 =	vadd.s32 $0x2280, v8  }
0x20f: {  	v3 =	vadd.f32 v6, v3;
	v6 =	vld.idx.msk [tilespmem:v7+s15+$0x0], $0xffff;
	v7 =	vor.u32 v11, v10;
	v10 =	vand.u32 $0xFFFFFC00, v12  }
0x210: {  	v11 =	vand.u32 $0x7F, v14;
	v12 =	vshll.u32 v59, $0x3;
	v14 =	vld [tilespmem:s26+$0x0];
	v7 =	vadd.s32 $0x2300, v7  }
0x211: {  	v3 =	vadd.f32 v5, v3;
	v5 =	vld.idx.msk [tilespmem:v9+s15+$0x0], $0xffff;
	v9 =	vor.u32 v11, v10;
	v10 =	vand.u32 $0xFFFFFC00, v12  }
0x212: {  	v60 =	vld [tilespmem:s31+$0x0];
	v11 =	vand.u32 $0x7F, v59;
	v12 =	vshll.u32 v13, $0x3;
	v9 =	vadd.s32 $0x2380, v9  }
0x213: {  	v3 =	vadd.f32 v4, v3;
	v4 =	vld.idx.msk [tilespmem:v8+s15+$0x0], $0xffff;
	v8 =	vor.u32 v11, v10;
	v10 =	vand.u32 $0xFFFFFC00, v12  }
0x214: {  	v11 =	vand.u32 $0x7F, v13;
	v12 =	vshll.u32 v15, $0x3;
	v13 =	vld [tilespmem:s0+$0x0];
	v8 =	vadd.s32 $0x4000, v8  }
0x215: {  	v3 =	vadd.f32 v6, v3;
	v6 =	vld.idx.msk [tilespmem:v7+s15+$0x0], $0xffff;
	v7 =	vor.u32 v11, v10;
	v10 =	vand.u32 $0xFFFFFC00, v12  }
0x216: {  	v11 =	vand.u32 $0x7F, v15;
	v12 =	vshll.u32 v14, $0x3;
	v15 =	vld [tilespmem:s16+$0x0];
	v7 =	vadd.s32 $0x4080, v7  }
0x217: {  	v3 =	vadd.f32 v5, v3;
	v5 =	vld.idx.msk [tilespmem:v9+s15+$0x0], $0xffff;
	v9 =	vor.u32 v11, v10;
	v10 =	vand.u32 $0xFFFFFC00, v12  }
0x218: {  	v11 =	vand.u32 $0x7F, v14;
	v12 =	vshll.u32 v60, $0x3;
	v14 =	vld [tilespmem:s21+$0x0];
	v9 =	vadd.s32 $0x4100, v9  }
0x219: {  	v61 =	vshll.u32 v13, $0x3;
	v3 =	vadd.f32 v4, v3;
	v8 =	vld.idx.msk [tilespmem:v8+s15+$0x0], $0xffff;
	v4 =	vor.u32 v11, v10  }
0x21a: {  	v10 =	vand.u32 $0xFFFFFC00, v12;
	v11 =	vand.u32 $0x7F, v60;
	v12 =	vadd.s32 $0x4180, v4;
	v4 =	vld [tilespmem:s4+$0x0]  }
0x21b: {  	s24 =	sadd.s32 $0x2, s24;
	v3 =	vadd.f32 v6, v3;
	v62 =	vld.idx.msk [tilespmem:v7+s15+$0x0], $0xffff;
	v6 =	vor.u32 v11, v10;
	v7 =	vand.u32 $0xFFFFFC00, v61  }
0x21c: {  	p0 =	slt.u32 s24, $0x1E;
	v10 =	vand.u32 $0x7F, v13;
	v11 =	vshll.u32 v15, $0x3;
	v63 =	vadd.s32 $0x4200, v6;
	v6 =	vld [tilespmem:s5+$0x0]  }
.Ltmp1:
0x21d: {  	v13 =	vshll.u32 v14, $0x3;
	v5 =	vadd.f32 v5, v3;
	v9 =	vld.idx.msk [tilespmem:v9+s15+$0x0], $0xffff;
	v3 =	vor.u32 v10, v7;
	(pc) =	sbr.rel @p0 .LBB2_4-.Ltmp1, $4  }
0x21e: {  	v7 =	vand.u32 $0xFFFFFC00, v11;
	v10 =	vand.u32 $0x7F, v15;
	v11 =	vadd.s32 $0x4280, v3;
	v3 =	vld.idx.msk [tilespmem:v1+s15+$0x0], $0xffff  }
0x21f: {  	v1 =	vadd.f32 v8, v5;
	v8 =	vld.idx.msk [tilespmem:v12+s15+$0x0], $0xffff;
	v5 =	vor.u32 v10, v7;
	v12 =	vand.u32 $0xFFFFFC00, v13  }
0x220: {  	v13 =	vand.u32 $0x7F, v14;
	v14 =	vshll.u32 v4, $0x3;
	v7 =	vld.idx.msk [tilespmem:v2+s15+$0x0], $0xffff;
	v10 =	vadd.s32 $0x4300, v5  }
0x221: {  	s25 =	sadd.s32 $0x20, s25;
	s2 =	rddreg [dreg:$0x8];
	v12 =	vor.u32 v13, v12;
	v2 =	vand.u32 $0xFFFFFC00, v14;
	v1 =	vadd.f32 v62, v1;
	v5 =	vld.idx.msk [tilespmem:v63+s15+$0x0], $0xffff  }
0x222: {  	_ =	sdelay $0x2  }
0x223: {  	v12 =	vadd.s32 $0x4380, v12;
	v4 =	vand.u32 $0x7F, v4;
	v1 =	vadd.f32 v9, v1  }
0x224: {  	v13 =	vshll.u32 v6, $0x3;
	v59 =	vld.idx.msk [tilespmem:v11+s15+$0x0], $0xffff;
	v61 =	vand.u32 $0x7F, v6;
	v2 =	vor.u32 v4, v2  }
0x225: {  	v60 =	vand.u32 $0xFFFFFC00, v13;
	v2 =	vadd.s32 $0x6000, v2;
	v1 =	vadd.f32 v8, v1  }
0x226: {  	v62 =	vld.idx.msk [tilespmem:v10+s15+$0x0], $0xffff;
	v4 =	vor.u32 v61, v60  }
0x227: {  	v4 =	vadd.s32 $0x6080, v4;
	v1 =	vadd.f32 v5, v1  }
0x228: {  	v63 =	vld.idx.msk [tilespmem:v12+s15+$0x0], $0xffff  }
0x229: {  	v1 =	vadd.f32 v59, v1  }
0x22a: {  	v2 =	vld.idx.msk [tilespmem:v2+s15+$0x0], $0xffff  }
0x22b: {  	v1 =	vadd.f32 v62, v1  }
0x22c: {  	v4 =	vld.idx.msk [tilespmem:v4+s15+$0x0], $0xffff  }
0x22d: {  	v1 =	vadd.f32 v63, v1  }
0x22e: {  	v0 =	vadd.f32 v3, v0  }
0x22f: {  	v1 =	vadd.f32 v2, v1  }
0x230: {  	v0 =	vadd.f32 v7, v0  }
0x231: {  	s0 =	rddreg [dreg:$0x7];
	v1 =	vadd.f32 v4, v1  }
0x232: {  	[tilespmem:s0+$0x0] =	vst v0  }
0x233: {  	[tilespmem:s2+$0x0] =	vst v1  }
0x234: {  	_ =	strace $0x9000004D  }
0x235: {  	s9 =	simm.s32 $0x0;
	_ =	strace $0x8000004E  }
0x236: {  	s8 =	simm.s32 $0xDC80;
	s30 =	simm.s32 $0x5;
	s29 =	rddreg [dreg:$0x13]  }
0x237: {  	[hbm4b:s29+s9] =	stream.linear.scatter [tilespmem:s8], [sflag:$0x5], $0x200, $0x200038;
	[tilespmem:$0xDE80] =	vst v63  }
0x238: {  	_ =	swait.ge [sflag:s30], $0x200  }
0x239: {  	s1 =	rddreg [dreg:$0x15]  }
0x23a: {  	s31 =	rddreg [dreg:$0x14];
	s1 =	sadd.s32 $0x1, s1  }
0x23b: {  	p0 =	sne.s32 s1, s31  }
.Ltmp2:
0x23c: {  	_ = 	snop;
	(pc) =	sbr.rel @p0 .LBB2_1-.Ltmp2, $4  }
0x23d: {  	_ = 	snop  }
0x23e: {  	[sflag:s30] =	ssyncset.done $0x0  }
0x23f: {  	s10 =	simm.s32 $0xD800;
	[sflag:s30] =	ssyncadd.s32 $0xFFFFFE00  }
0x240: {  	s11 =	simm.s32 $0x1;
	s12 =	simm.s32 $0x2;
	_ =	strace $0x9000004E  }
0x241: {  	_ =	sfence.sel $0x180000  }
0x242: {  	[bflag:$0x0] =	sbarrier.arrive $0xFFFF  }
0x243: {  	_ =	strace $0x90000047  }
0x244: {  	s0 =	stileid.u32;
	[bflag:$0x2] =	sbarrier.arrive $0xFFFF  }
0x245: {  	p0 =	sne.s32 s0, $0x0;
	s0 =	rddreg [dreg:$0x6]  }
0x246: {  	s0 =	sadd.s32 @!p0 $0x100000, s0  }
0x247: {  	[sflag:s0] =	ssyncadd.tile.s32 @!p0 $0x1;
	_ =	shalt  }
.Lfunc_end2:
_tile_overlayer_lowered:
.L_overlay_start_2:
0x248: {  	(tag) =	ssettag $0x2  }
0x249: {  	s0 =	rddreg [dreg:$0x0];
	s2 =	stileid.u32  }
0x24a: {  	s1 =	rddreg [dreg:$0x1];
	p0 =	sne.s32 s2, $0x0  }
0x24b: {  	s3 =	rddreg [dreg:$0x2];
	[bflag:$0x3] =	sbarrier.arrive $0xFFFF;
	s2 =	simm.s32 @!p0 $0x1C05  }
0x24c: {  	[timem:s3], [sflag:s2] =	dma.local @!p0 [hbm:s0], s1  }
0x24d: {  	s0 =	simm.s32 @!p0 $0x5  }
0x24e: {  	_ =	swait.ge @!p0 [sflag:s0], s1  }
0x24f: {  	s1 =	ssub.s32 @!p0 $0x0, s1;
	[sflag:s0] =	ssyncset.done @!p0 $0x0  }
0x250: {  	[sflag:s0] =	ssyncadd.s32 @!p0 s1  }
0x251: {  	[bflag:$0x3] =	sbarrier.arrive $0xFFFF  }
0x252: {  	_ =	shalt  }

</sc_bundles>
